<compile_context>
chip_gen: v7x
topology: tpu7x:2x2x1
jax: 0.10.2.dev20260603
libtpu: 0.0.44.dev20260713+nightly
codegen_flags: <defaults>
</compile_context>

<pallas_src>
import functools

import jax
import jax.numpy as jnp
from jax import lax
from jax.experimental import pallas as pl
from jax.experimental.pallas import tpu as pltpu
from jax.experimental.pallas import tpu_sc as plsc

N = 10000
D = 256
H = 128
E = 160000
NC = 2
NS = 16
CH = 40
EPT = E // NS
NCHUNK = EPT // CH
NP = 10240
RPT = NP // NS

NW = NC * NS
EPW = E // NW
NV = EPW // 16
REM = EPW - NV * 16


def _sc_agg(xr, colm, rowm, zrow):
    mesh = plsc.VectorSubcoreMesh(core_axis_name="c", subcore_axis_name="s")

    @functools.partial(
        pl.kernel,
        out_type=jax.ShapeDtypeStruct((NC, NP, H), jnp.float32),
        mesh=mesh,
        scratch_types=[
            pltpu.VMEM((EPT,), jnp.int32),
            pltpu.VMEM((3, CH), jnp.int32),
            pltpu.VMEM((CH, H), jnp.float32),
            pltpu.VMEM((CH, H), jnp.float32),
            pltpu.VMEM((CH, H), jnp.float32),
            pltpu.VMEM_SHARED((NP, H), jnp.float32),
            pltpu.SemaphoreType.DMA,
            pltpu.SemaphoreType.DMA,
            pltpu.SemaphoreType.DMA,
            pltpu.SemaphoreType.DMA,
            pltpu.SemaphoreType.DMA,
            pltpu.SemaphoreType.DMA,
            pltpu.SemaphoreType.DMA,
            pltpu.SemaphoreType.DMA,
            pltpu.SemaphoreType.DMA,
        ],
    )
    def body(xr_hbm, colm_hbm, rowm_hbm, zrow_hbm,
             sums_hbm,
             gidx, rbuf, buf0, buf1, buf2, acc,
             g0, g1, g2, r0, r1, r2, s0, s1, s2):
        c = lax.axis_index("c")
        s = lax.axis_index("s")

        pltpu.sync_copy(zrow_hbm.at[pl.ds(s * RPT, RPT)],
                        acc.at[pl.ds(s * RPT, RPT)])

        pltpu.sync_copy(colm_hbm.at[pl.ds(s * EPT, EPT)], gidx)

        @pl.loop(0, EPT // 16)
        def _(k):
            v = gidx[pl.ds(k * 16, 16)]
            gidx[pl.ds(k * 16, 16)] = v * 2 + c

        plsc.subcore_barrier()

        def _gidx(j):
            return gidx.at[pl.ds(j * CH, CH)]

        def _ridx(j):
            return rowm_hbm.at[pl.ds(s * EPT + j * CH, CH)]

        bufs = (buf0, buf1, buf2)
        gsem = (g0, g1, g2)
        rsem = (r0, r1, r2)
        ssem = (s0, s1, s2)

        for k in range(3):
            pltpu.async_copy(xr_hbm.at[_gidx(k)], bufs[k], gsem[k])
            pltpu.async_copy(_ridx(k), rbuf.at[k], rsem[k])

        @pl.loop(0, NCHUNK, step=3)
        def _(j):
            for k in range(3):
                @pl.when(j + k < NCHUNK)
                def _(k=k):
                    pltpu.make_async_copy(
                        xr_hbm.at[_gidx(j + k)], bufs[k], gsem[k]).wait()
                    pltpu.make_async_copy(
                        _ridx(j + k), rbuf.at[k], rsem[k]).wait()
                    pltpu.async_copy(
                        bufs[k], acc.at[rbuf.at[k]], ssem[k], add=True)

            for k in range(3):
                @pl.when(j + k < NCHUNK)
                def _(k=k):
                    pltpu.make_async_copy(
                        bufs[k], acc.at[rbuf.at[k]], ssem[k]).wait()

                    @pl.when(j + k + 3 < NCHUNK)
                    def _(k=k):
                        pltpu.async_copy(
                            xr_hbm.at[_gidx(j + k + 3)], bufs[k], gsem[k])
                        pltpu.async_copy(_ridx(j + k + 3), rbuf.at[k], rsem[k])

        plsc.subcore_barrier()

        pltpu.sync_copy(acc.at[pl.ds(s * RPT, RPT)],
                        sums_hbm.at[c, pl.ds(s * RPT, RPT)])

    return body(xr, colm, rowm, zrow)


def _sc_count(rowf):
    mesh = plsc.VectorSubcoreMesh(core_axis_name="c", subcore_axis_name="s")

    @functools.partial(
        pl.kernel,
        out_type=jax.ShapeDtypeStruct((NW, NP), jnp.float32),
        mesh=mesh,
        scratch_types=[
            pltpu.VMEM((EPW,), jnp.int32),
            pltpu.VMEM((NP,), jnp.float32),
        ],
        compiler_params=pltpu.CompilerParams(needs_layout_passes=False),
    )
    def body(row_hbm, cnt_hbm, ridx, cl):
        c = lax.axis_index("c")
        s = lax.axis_index("s")
        w = c * NS + s

        zero16 = jnp.zeros((16,), jnp.float32)

        @pl.loop(0, NP // 16)
        def _(i):
            cl[pl.ds(i * 16, 16)] = zero16

        pltpu.sync_copy(row_hbm.at[pl.ds(w * EPW, EPW)], ridx)

        one16 = jnp.ones((16,), jnp.float32)

        @pl.loop(0, NV)
        def _(k):
            idx = ridx[pl.ds(k * 16, 16)]
            plsc.addupdate_scatter(cl, [idx], one16)

        if REM:
            lane = lax.iota(jnp.int32, 16)
            idx = ridx[pl.ds(EPW - 16, 16)]
            plsc.addupdate_scatter(cl, [idx], one16, mask=lane >= 16 - REM)

        pltpu.sync_copy(cl, cnt_hbm.at[w])

    return body(rowf)


BM = 1024


def _tc_update(sums2, cnt2, x, w, b2):
    def body(s_ref, c_ref, x_ref, w_ref, b_ref, o_ref):
        s0 = s_ref[0]
        s1 = s_ref[1]
        xb = x_ref[...]
        cnt = jnp.sum(c_ref[...], axis=0)[:, None] + 1.0
        inv = 1.0 / cnt
        r0 = (s0 + 2.0 * xb[:, :H]) * inv
        r1 = (s1 + 2.0 * xb[:, H:]) * inv
        acc = jnp.dot(r0, w_ref[0:H, :], preferred_element_type=jnp.float32)
        acc += jnp.dot(r1, w_ref[H:2 * H, :], preferred_element_type=jnp.float32)
        acc += jnp.dot(xb, w_ref[2 * H:, :], preferred_element_type=jnp.float32)
        o_ref[...] = jnp.maximum(acc + b_ref[...], 0.0)

    return pl.pallas_call(
        body,
        grid=(pl.cdiv(N, BM),),
        in_specs=[
            pl.BlockSpec((NC, BM, H), lambda i: (0, i, 0)),
            pl.BlockSpec((NW, BM), lambda i: (0, i)),
            pl.BlockSpec((BM, D), lambda i: (i, 0)),
            pl.BlockSpec((2 * D, D), lambda i: (0, 0)),
            pl.BlockSpec((1, D), lambda i: (0, 0)),
        ],
        out_specs=pl.BlockSpec((BM, D), lambda i: (i, 0)),
        out_shape=jax.ShapeDtypeStruct((N, D), jnp.float32),
    )(sums2, cnt2, x, w, b2)


def kernel(x, edge_index, edge_weight, kernel, bias):
    del edge_weight
    col = edge_index[1].astype(jnp.int32)
    row = edge_index[0].astype(jnp.int32)
    rowf = edge_index[0].astype(jnp.int32)
    xr = x.reshape(2 * N, H)
    zrow = jnp.zeros((NP, H), jnp.float32)
    sums2 = _sc_agg(xr, col, row, zrow)
    cnt2 = _sc_count(rowf)
    return _tc_update(sums2, cnt2, x, kernel, bias.reshape(1, D))

# --- scband reference (transcript-rebuilt; emitter-appended) ---
"""Pipeline reference for scband-gcn-aggregator-37254546326090 (READ-ONLY COPY).

The authoritative reference and input builder live on the scoring server;
editing this copy changes nothing except your own understanding.
"""

import jax, jax.numpy as jnp
import numpy as np

N_NODES = 10000
N_EDGES = 160000
D_FEAT = 256
UNITS = 256


def setup_inputs(seed: int = 0) -> dict:
    key = jax.random.key(seed)
    k1, k2, k3, k4 = jax.random.split(key, 4)
    x = jax.random.normal(k1, (N_NODES, D_FEAT), dtype=jnp.float32)
    edge_index = jax.random.randint(k2, (2, N_EDGES), 0, N_NODES, dtype=jnp.int64)
    edge_weight = jax.random.uniform(k3, (N_EDGES,), dtype=jnp.float32)
    # learned params: kernel [2*d_feat, units] glorot-uniform, bias [units] zeros
    fan_in, fan_out = 2 * D_FEAT, UNITS
    limit = float(np.sqrt(6.0 / (fan_in + fan_out)))
    kernel = jax.random.uniform(k4, (2 * D_FEAT, UNITS), minval=-limit, maxval=limit, dtype=jnp.float32)
    bias = jnp.zeros((UNITS,), dtype=jnp.float32)
    return {"x": x, "edge_index": edge_index, "edge_weight": edge_weight, "kernel": kernel, "bias": bias}


def reference(x, edge_index, edge_weight, kernel, bias):
    num_nodes = x.shape[0]
    num_edges = edge_index.shape[1]
    # forward: since edge_weight is not None, it is overwritten with ones
    ew = jnp.ones((num_edges,), dtype=jnp.float32)
    # add_self_loop_edge with fill_weight=2.0
    sl = jnp.arange(num_nodes, dtype=edge_index.dtype)
    ei = jnp.concatenate([edge_index, jnp.stack([sl, sl], axis=0)], axis=1)
    ew = jnp.concatenate([ew, 2.0 * jnp.ones((num_nodes,), dtype=jnp.float32)], axis=0)
    row = ei[0]
    col = ei[1]
    neighbor_x = jnp.take(x, col, axis=0)
    # gcn_mapper: scale neighbor features by edge weight
    neighbor_x = neighbor_x * ew[:, None]
    # mean_reducer: unsorted_segment_mean over destination (row)
    sums = jax.ops.segment_sum(neighbor_x, row, num_segments=num_nodes)
    counts = jax.ops.segment_sum(jnp.ones((row.shape[0],), dtype=x.dtype), row, num_segments=num_nodes)
    reduced_msg = sums / jnp.maximum(counts, 1.0)[:, None]
    updated_msg = jnp.concatenate([reduced_msg, x], axis=1)
    h = updated_msg @ kernel
    h = h + bias
    h = jax.nn.relu(h)
    # normalize=False (default), so no l2 normalization
    return h

if __name__ == "__main__":
    import jax
    _d = setup_inputs()
    print(jax.jit(kernel)(*tuple(_d.values())))

</pallas_src>

<mosaic_0001>
#map = affine_map<(d0, d1) -> (0, 0)>
#map1 = affine_map<(d0, d1) -> (0)>
#map2 = affine_map<(d0, d1) -> (0, 0, 0)>
module attributes {stable_mosaic.version = 14 : i64} {
  func.func @body(%arg0: i32, %arg1: i32, %arg2: memref<20000x128xf32, #tpu.memory_space<hbm>>, %arg3: memref<160000xi32, #tpu.memory_space<hbm>>, %arg4: memref<160000xi32, #tpu.memory_space<hbm>>, %arg5: memref<10240x128xf32, #tpu.memory_space<hbm>>, %arg6: memref<2x10240x128xf32, #tpu.memory_space<hbm>>, %arg7: memref<10000xi32, #tpu.memory_space<vmem>>, %arg8: memref<3x40xi32, #tpu.memory_space<vmem>>, %arg9: memref<40x128xf32, #tpu.memory_space<vmem>>, %arg10: memref<40x128xf32, #tpu.memory_space<vmem>>, %arg11: memref<40x128xf32, #tpu.memory_space<vmem>>, %arg12: memref<10240x128xf32, #tpu.memory_space<vmem_shared>>, %arg13: memref<!tpu.dma_semaphore, #tpu.memory_space<semaphore_mem>>, %arg14: memref<!tpu.dma_semaphore, #tpu.memory_space<semaphore_mem>>, %arg15: memref<!tpu.dma_semaphore, #tpu.memory_space<semaphore_mem>>, %arg16: memref<!tpu.dma_semaphore, #tpu.memory_space<semaphore_mem>>, %arg17: memref<!tpu.dma_semaphore, #tpu.memory_space<semaphore_mem>>, %arg18: memref<!tpu.dma_semaphore, #tpu.memory_space<semaphore_mem>>, %arg19: memref<!tpu.dma_semaphore, #tpu.memory_space<semaphore_mem>>, %arg20: memref<!tpu.dma_semaphore, #tpu.memory_space<semaphore_mem>>, %arg21: memref<!tpu.dma_semaphore, #tpu.memory_space<semaphore_mem>>) attributes {dimension_semantics = [#tpu.dimension_semantics<core_parallel>, #tpu.dimension_semantics<subcore_parallel>], iteration_bounds = array<i64: 2, 16>, scalar_prefetch = 0 : i64, scratch_operands = 15 : i64, tpu.core_type = #tpu.core_type<sc_vector_subcore>, window_params = [{transform_indices = #map}, {transform_indices = #map1}, {transform_indices = #map1}, {transform_indices = #map}, {transform_indices = #map2}]} {
    %mul3A = arith.constant 640 : i32
    %mul3A_0 = arith.muli %arg1, %mul3A : i32
    %mul3A_1 = arith.constant 640 : i32
    %mul3A_2 = arith.muli %arg1, %mul3A_1 : i32
    "tpu.region"() ({
      %run_scoped3A = tpu.sem_alloc : memref<!tpu.dma_semaphore, #tpu.memory_space<semaphore_mem>>
      %dma_start3A_71 = arith.constant 0 : i32
      %dma_start3A_72 = tpu.memref_slice %arg12[%mul3A_2, %dma_start3A_71] : memref<10240x128xf32, #tpu.memory_space<vmem_shared>> -> memref<640x128xf32, #tpu.memory_space<vmem_shared>>
      %dma_start3A_73 = arith.constant 0 : i32
      %dma_start3A_74 = tpu.memref_slice %arg5[%mul3A_0, %dma_start3A_73] : memref<10240x128xf32, #tpu.memory_space<hbm>> -> memref<640x128xf32, #tpu.memory_space<hbm>>
      tpu.enqueue_dma source(%dma_start3A_74 : memref<640x128xf32, #tpu.memory_space<hbm>>) target(%dma_start3A_72 : memref<640x128xf32, #tpu.memory_space<vmem_shared>>) target_semaphore(%run_scoped3A : memref<!tpu.dma_semaphore, #tpu.memory_space<semaphore_mem>>)
      %dma_wait3A = arith.constant 0 : i32
      %dma_wait3A_75 = tpu.memref_slice %arg12[%mul3A_2, %dma_wait3A] : memref<10240x128xf32, #tpu.memory_space<vmem_shared>> -> memref<640x128xf32, #tpu.memory_space<vmem_shared>>
      %dma_wait3A_76 = arith.constant 0 : i32
      %dma_wait3A_77 = tpu.memref_slice %arg5[%mul3A_0, %dma_wait3A_76] : memref<10240x128xf32, #tpu.memory_space<hbm>> -> memref<640x128xf32, #tpu.memory_space<hbm>>
      tpu.wait_dma2 semaphore(%run_scoped3A : memref<!tpu.dma_semaphore, #tpu.memory_space<semaphore_mem>>) src(%dma_wait3A_77 : memref<640x128xf32, #tpu.memory_space<hbm>>) dst(%dma_wait3A_75 : memref<640x128xf32, #tpu.memory_space<vmem_shared>>)
      tpu.yield
    }) : () -> ()
    %mul3A_3 = arith.constant 10000 : i32
    %mul3A_4 = arith.muli %arg1, %mul3A_3 : i32
    "tpu.region"() ({
      %run_scoped3A = tpu.sem_alloc : memref<!tpu.dma_semaphore, #tpu.memory_space<semaphore_mem>>
      %dma_start3A_71 = tpu.memref_slice %arg3[%mul3A_4] : memref<160000xi32, #tpu.memory_space<hbm>> -> memref<10000xi32, #tpu.memory_space<hbm>>
      %dma_start3A_72 = tpu.memref_slice %arg3[%mul3A_4] : memref<160000xi32, #tpu.memory_space<hbm>> -> memref<10000xi32, #tpu.memory_space<hbm>>
      tpu.enqueue_dma source(%dma_start3A_72 : memref<10000xi32, #tpu.memory_space<hbm>>) target(%arg7 : memref<10000xi32, #tpu.memory_space<vmem>>) target_semaphore(%run_scoped3A : memref<!tpu.dma_semaphore, #tpu.memory_space<semaphore_mem>>)
      %dma_wait3A = tpu.memref_slice %arg3[%mul3A_4] : memref<160000xi32, #tpu.memory_space<hbm>> -> memref<10000xi32, #tpu.memory_space<hbm>>
      %dma_wait3A_73 = tpu.memref_slice %arg3[%mul3A_4] : memref<160000xi32, #tpu.memory_space<hbm>> -> memref<10000xi32, #tpu.memory_space<hbm>>
      tpu.wait_dma2 semaphore(%run_scoped3A : memref<!tpu.dma_semaphore, #tpu.memory_space<semaphore_mem>>) src(%dma_wait3A_73 : memref<10000xi32, #tpu.memory_space<hbm>>) dst(%arg7 : memref<10000xi32, #tpu.memory_space<vmem>>)
      tpu.yield
    }) : () -> ()
    %scan3A = arith.constant 0 : i32
    %scan3A_5 = arith.constant 625 : i32
    %scan3A_6 = arith.addi %scan3A, %scan3A_5 : i32
    %scan3A_7 = arith.constant 1 : i32
    scf.for %scan3A_71 = %scan3A to %scan3A_6 step %scan3A_7  : i32 {
      %mul3A_72 = arith.constant 1 : i32
      %mul3A_73 = arith.muli %scan3A_71, %mul3A_72 : i32
      %add3A_74 = arith.constant 0 : i32
      %add3A_75 = arith.addi %add3A_74, %mul3A_73 : i32
      %mul3A_76 = arith.constant 16 : i32
      %mul3A_77 = arith.muli %add3A_75, %mul3A_76 : i32
      %get3A = arith.index_cast %mul3A_77 : i32 to index
      %get3A_78 = tpu.vector_load %arg7[%get3A] {strides = array<i32>} : memref<10000xi32, #tpu.memory_space<vmem>>, vector<16xi32>,
      %get3A_79 = vector.shape_cast %get3A_78 : vector<16xi32> to vector<16xi32>
      %mul3A_80 = arith.constant 2 : i32
      %mul3A_81 = vector.broadcast %mul3A_80 : i32 to vector<16xi32>
      %mul3A_82 = arith.muli %get3A_79, %mul3A_81 : vector<16xi32>
      %add3A_83 = vector.broadcast %arg0 : i32 to vector<16xi32>
      %add3A_84 = arith.addi %mul3A_82, %add3A_83 : vector<16xi32>
      %mul3A_85 = arith.constant 16 : i32
      %mul3A_86 = arith.muli %add3A_75, %mul3A_85 : i32
      %swap3A = arith.index_cast %mul3A_86 : i32 to index
      %swap3A_87 = tpu.vector_load %arg7[%swap3A] {strides = array<i32>} : memref<10000xi32, #tpu.memory_space<vmem>>, vector<16xi32>,
      %swap3A_88 = vector.shape_cast %swap3A_87 : vector<16xi32> to vector<16xi32>
      %swap3A_89 = vector.shape_cast %add3A_84 : vector<16xi32> to vector<16xi32>
      tpu.vector_store %arg7[%swap3A], %swap3A_89 {strides = array<i32>} : memref<10000xi32, #tpu.memory_space<vmem>>, vector<16xi32>,
    }
    %scan3A_8 = arith.constant 625 : i32
    %barrier3A = arith.constant 0 : index
    tpu.barrier barrier_id(%barrier3A)
    %dma_start3A = arith.constant 0 : i32
    %dma_start3A_9 = tpu.memref_slice %arg7[%dma_start3A] : memref<10000xi32, #tpu.memory_space<vmem>> -> memref<40xi32, #tpu.memory_space<vmem>>
    %dma_start3A_10 = arith.constant 0 : i32
    %dma_start3A_11 = arith.constant 0 : i32
    %dma_start3A_12 = tpu.memref_slice %arg2[%dma_start3A_10, %dma_start3A_11] : memref<20000x128xf32, #tpu.memory_space<hbm>> -> memref<20000x128xf32, #tpu.memory_space<hbm>>
    tpu.enqueue_indirect_dma source(%dma_start3A_12 : memref<20000x128xf32, #tpu.memory_space<hbm>>) target(%arg9 : memref<40x128xf32, #tpu.memory_space<vmem>>) offsets(%dma_start3A_9 : memref<40xi32, #tpu.memory_space<vmem>>) semaphore(%arg13 : memref<!tpu.dma_semaphore, #tpu.memory_space<semaphore_mem>>)
    %mul3A_13 = arith.constant 10000 : i32
    %mul3A_14 = arith.muli %arg1, %mul3A_13 : i32
    %add3A = arith.constant 0 : i32
    %add3A_15 = arith.addi %mul3A_14, %add3A : i32
    %dma_start3A_16 = arith.constant 0 : i32
    %dma_start3A_17 = arith.constant 0 : i32
    %dma_start3A_18 = tpu.memref_slice %arg8[%dma_start3A_16, %dma_start3A_17] : memref<3x40xi32, #tpu.memory_space<vmem>> -> memref<1x40xi32, #tpu.memory_space<vmem>>
    %dma_start3A_19 = tpu.memref_squeeze %dma_start3A_18 : memref<1x40xi32, #tpu.memory_space<vmem>> -> memref<40xi32, #tpu.memory_space<vmem>>
    %dma_start3A_20 = tpu.memref_slice %arg4[%add3A_15] : memref<160000xi32, #tpu.memory_space<hbm>> -> memref<40xi32, #tpu.memory_space<hbm>>
    %dma_start3A_21 = arith.constant 0 : i32
    %dma_start3A_22 = tpu.memref_slice %arg8[%dma_start3A_16, %dma_start3A_21] : memref<3x40xi32, #tpu.memory_space<vmem>> -> memref<1x40xi32, #tpu.memory_space<vmem>>
    %dma_start3A_23 = tpu.memref_squeeze %dma_start3A_22 : memref<1x40xi32, #tpu.memory_space<vmem>> -> memref<40xi32, #tpu.memory_space<vmem>>
    %dma_start3A_24 = tpu.memref_slice %arg4[%add3A_15] : memref<160000xi32, #tpu.memory_space<hbm>> -> memref<40xi32, #tpu.memory_space<hbm>>
    tpu.enqueue_dma source(%dma_start3A_24 : memref<40xi32, #tpu.memory_space<hbm>>) target(%dma_start3A_23 : memref<40xi32, #tpu.memory_space<vmem>>) target_semaphore(%arg16 : memref<!tpu.dma_semaphore, #tpu.memory_space<semaphore_mem>>)
    %dma_start3A_25 = arith.constant 40 : i32
    %dma_start3A_26 = tpu.memref_slice %arg7[%dma_start3A_25] : memref<10000xi32, #tpu.memory_space<vmem>> -> memref<40xi32, #tpu.memory_space<vmem>>
    %dma_start3A_27 = arith.constant 0 : i32
    %dma_start3A_28 = arith.constant 0 : i32
    %dma_start3A_29 = tpu.memref_slice %arg2[%dma_start3A_27, %dma_start3A_28] : memref<20000x128xf32, #tpu.memory_space<hbm>> -> memref<20000x128xf32, #tpu.memory_space<hbm>>
    tpu.enqueue_indirect_dma source(%dma_start3A_29 : memref<20000x128xf32, #tpu.memory_space<hbm>>) target(%arg10 : memref<40x128xf32, #tpu.memory_space<vmem>>) offsets(%dma_start3A_26 : memref<40xi32, #tpu.memory_space<vmem>>) semaphore(%arg14 : memref<!tpu.dma_semaphore, #tpu.memory_space<semaphore_mem>>)
    %mul3A_30 = arith.constant 10000 : i32
    %mul3A_31 = arith.muli %arg1, %mul3A_30 : i32
    %add3A_32 = arith.constant 40 : i32
    %add3A_33 = arith.addi %mul3A_31, %add3A_32 : i32
    %dma_start3A_34 = arith.constant 1 : i32
    %dma_start3A_35 = arith.constant 0 : i32
    %dma_start3A_36 = tpu.memref_slice %arg8[%dma_start3A_34, %dma_start3A_35] : memref<3x40xi32, #tpu.memory_space<vmem>> -> memref<1x40xi32, #tpu.memory_space<vmem>>
    %dma_start3A_37 = tpu.memref_squeeze %dma_start3A_36 : memref<1x40xi32, #tpu.memory_space<vmem>> -> memref<40xi32, #tpu.memory_space<vmem>>
    %dma_start3A_38 = tpu.memref_slice %arg4[%add3A_33] : memref<160000xi32, #tpu.memory_space<hbm>> -> memref<40xi32, #tpu.memory_space<hbm>>
    %dma_start3A_39 = arith.constant 0 : i32
    %dma_start3A_40 = tpu.memref_slice %arg8[%dma_start3A_34, %dma_start3A_39] : memref<3x40xi32, #tpu.memory_space<vmem>> -> memref<1x40xi32, #tpu.memory_space<vmem>>
    %dma_start3A_41 = tpu.memref_squeeze %dma_start3A_40 : memref<1x40xi32, #tpu.memory_space<vmem>> -> memref<40xi32, #tpu.memory_space<vmem>>
    %dma_start3A_42 = tpu.memref_slice %arg4[%add3A_33] : memref<160000xi32, #tpu.memory_space<hbm>> -> memref<40xi32, #tpu.memory_space<hbm>>
    tpu.enqueue_dma source(%dma_start3A_42 : memref<40xi32, #tpu.memory_space<hbm>>) target(%dma_start3A_41 : memref<40xi32, #tpu.memory_space<vmem>>) target_semaphore(%arg17 : memref<!tpu.dma_semaphore, #tpu.memory_space<semaphore_mem>>)
    %dma_start3A_43 = arith.constant 80 : i32
    %dma_start3A_44 = tpu.memref_slice %arg7[%dma_start3A_43] : memref<10000xi32, #tpu.memory_space<vmem>> -> memref<40xi32, #tpu.memory_space<vmem>>
    %dma_start3A_45 = arith.constant 0 : i32
    %dma_start3A_46 = arith.constant 0 : i32
    %dma_start3A_47 = tpu.memref_slice %arg2[%dma_start3A_45, %dma_start3A_46] : memref<20000x128xf32, #tpu.memory_space<hbm>> -> memref<20000x128xf32, #tpu.memory_space<hbm>>
    tpu.enqueue_indirect_dma source(%dma_start3A_47 : memref<20000x128xf32, #tpu.memory_space<hbm>>) target(%arg11 : memref<40x128xf32, #tpu.memory_space<vmem>>) offsets(%dma_start3A_44 : memref<40xi32, #tpu.memory_space<vmem>>) semaphore(%arg15 : memref<!tpu.dma_semaphore, #tpu.memory_space<semaphore_mem>>)
    %mul3A_48 = arith.constant 10000 : i32
    %mul3A_49 = arith.muli %arg1, %mul3A_48 : i32
    %add3A_50 = arith.constant 80 : i32
    %add3A_51 = arith.addi %mul3A_49, %add3A_50 : i32
    %dma_start3A_52 = arith.constant 2 : i32
    %dma_start3A_53 = arith.constant 0 : i32
    %dma_start3A_54 = tpu.memref_slice %arg8[%dma_start3A_52, %dma_start3A_53] : memref<3x40xi32, #tpu.memory_space<vmem>> -> memref<1x40xi32, #tpu.memory_space<vmem>>
    %dma_start3A_55 = tpu.memref_squeeze %dma_start3A_54 : memref<1x40xi32, #tpu.memory_space<vmem>> -> memref<40xi32, #tpu.memory_space<vmem>>
    %dma_start3A_56 = tpu.memref_slice %arg4[%add3A_51] : memref<160000xi32, #tpu.memory_space<hbm>> -> memref<40xi32, #tpu.memory_space<hbm>>
    %dma_start3A_57 = arith.constant 0 : i32
    %dma_start3A_58 = tpu.memref_slice %arg8[%dma_start3A_52, %dma_start3A_57] : memref<3x40xi32, #tpu.memory_space<vmem>> -> memref<1x40xi32, #tpu.memory_space<vmem>>
    %dma_start3A_59 = tpu.memref_squeeze %dma_start3A_58 : memref<1x40xi32, #tpu.memory_space<vmem>> -> memref<40xi32, #tpu.memory_space<vmem>>
    %dma_start3A_60 = tpu.memref_slice %arg4[%add3A_51] : memref<160000xi32, #tpu.memory_space<hbm>> -> memref<40xi32, #tpu.memory_space<hbm>>
    tpu.enqueue_dma source(%dma_start3A_60 : memref<40xi32, #tpu.memory_space<hbm>>) target(%dma_start3A_59 : memref<40xi32, #tpu.memory_space<vmem>>) target_semaphore(%arg18 : memref<!tpu.dma_semaphore, #tpu.memory_space<semaphore_mem>>)
    %scan3A_61 = arith.constant 0 : i32
    %scan3A_62 = arith.constant 84 : i32
    %scan3A_63 = arith.addi %scan3A_61, %scan3A_62 : i32
    %scan3A_64 = arith.constant 1 : i32
    scf.for %scan3A_71 = %scan3A_61 to %scan3A_63 step %scan3A_64  : i32 {
      %mul3A_72 = arith.constant 3 : i32
      %mul3A_73 = arith.muli %scan3A_71, %mul3A_72 : i32
      %add3A_74 = arith.constant 0 : i32
      %add3A_75 = arith.addi %add3A_74, %mul3A_73 : i32
      %add3A_76 = arith.constant 0 : i32
      %add3A_77 = arith.addi %add3A_75, %add3A_76 : i32
      %lt3A = arith.constant 250 : i32
      %lt3A_78 = arith.cmpi slt, %add3A_77, %lt3A : i32
      %convert_element_type3A = arith.extui %lt3A_78 : i1 to i32
      %cond3A = arith.constant 0 : i32
      %cond3A_79 = arith.cmpi ne, %convert_element_type3A, %cond3A : i32
      scf.if %cond3A_79 {
        %add3A_115 = arith.constant 0 : i32
        %add3A_116 = arith.addi %add3A_75, %add3A_115 : i32
        %mul3A_117 = arith.constant 40 : i32
        %mul3A_118 = arith.muli %add3A_116, %mul3A_117 : i32
        %dma_wait3A = tpu.memref_slice %arg7[%mul3A_118] : memref<10000xi32, #tpu.memory_space<vmem>> -> memref<40xi32, #tpu.memory_space<vmem>>
        %dma_wait3A_119 = arith.constant 0 : i32
        %dma_wait3A_120 = arith.constant 0 : i32
        %dma_wait3A_121 = tpu.memref_slice %arg2[%dma_wait3A_119, %dma_wait3A_120] : memref<20000x128xf32, #tpu.memory_space<hbm>> -> memref<20000x128xf32, #tpu.memory_space<hbm>>
        tpu.wait_indirect_dma semaphore(%arg13 : memref<!tpu.dma_semaphore, #tpu.memory_space<semaphore_mem>>) src(%dma_wait3A_121 : memref<20000x128xf32, #tpu.memory_space<hbm>>) dst(%arg9 : memref<40x128xf32, #tpu.memory_space<vmem>>)
        %add3A_122 = arith.constant 0 : i32
        %add3A_123 = arith.addi %add3A_75, %add3A_122 : i32
        %mul3A_124 = arith.constant 10000 : i32
        %mul3A_125 = arith.muli %arg1, %mul3A_124 : i32
        %mul3A_126 = arith.constant 40 : i32
        %mul3A_127 = arith.muli %add3A_123, %mul3A_126 : i32
        %add3A_128 = arith.addi %mul3A_125, %mul3A_127 : i32
        %dma_wait3A_129 = arith.constant 0 : i32
        %dma_wait3A_130 = arith.constant 0 : i32
        %dma_wait3A_131 = tpu.memref_slice %arg8[%dma_wait3A_129, %dma_wait3A_130] : memref<3x40xi32, #tpu.memory_space<vmem>> -> memref<1x40xi32, #tpu.memory_space<vmem>>
        %dma_wait3A_132 = tpu.memref_squeeze %dma_wait3A_131 : memref<1x40xi32, #tpu.memory_space<vmem>> -> memref<40xi32, #tpu.memory_space<vmem>>
        %dma_wait3A_133 = tpu.memref_slice %arg4[%add3A_128] : memref<160000xi32, #tpu.memory_space<hbm>> -> memref<40xi32, #tpu.memory_space<hbm>>
        %dma_wait3A_134 = arith.constant 0 : i32
        %dma_wait3A_135 = tpu.memref_slice %arg8[%dma_wait3A_129, %dma_wait3A_134] : memref<3x40xi32, #tpu.memory_space<vmem>> -> memref<1x40xi32, #tpu.memory_space<vmem>>
        %dma_wait3A_136 = tpu.memref_squeeze %dma_wait3A_135 : memref<1x40xi32, #tpu.memory_space<vmem>> -> memref<40xi32, #tpu.memory_space<vmem>>
        %dma_wait3A_137 = tpu.memref_slice %arg4[%add3A_128] : memref<160000xi32, #tpu.memory_space<hbm>> -> memref<40xi32, #tpu.memory_space<hbm>>
        tpu.wait_dma2 semaphore(%arg16 : memref<!tpu.dma_semaphore, #tpu.memory_space<semaphore_mem>>) src(%dma_wait3A_137 : memref<40xi32, #tpu.memory_space<hbm>>) dst(%dma_wait3A_136 : memref<40xi32, #tpu.memory_space<vmem>>)
        %dma_start3A_138 = arith.constant 0 : i32
        %dma_start3A_139 = arith.constant 0 : i32
        %dma_start3A_140 = tpu.memref_slice %arg8[%dma_start3A_138, %dma_start3A_139] : memref<3x40xi32, #tpu.memory_space<vmem>> -> memref<1x40xi32, #tpu.memory_space<vmem>>
        %dma_start3A_141 = tpu.memref_squeeze %dma_start3A_140 : memref<1x40xi32, #tpu.memory_space<vmem>> -> memref<40xi32, #tpu.memory_space<vmem>>
        %dma_start3A_142 = arith.constant 0 : i32
        %dma_start3A_143 = arith.constant 0 : i32
        %dma_start3A_144 = tpu.memref_slice %arg12[%dma_start3A_142, %dma_start3A_143] : memref<10240x128xf32, #tpu.memory_space<vmem_shared>> -> memref<10240x128xf32, #tpu.memory_space<vmem_shared>>
        tpu.enqueue_indirect_dma source(%arg9 : memref<40x128xf32, #tpu.memory_space<vmem>>) target(%dma_start3A_144 : memref<10240x128xf32, #tpu.memory_space<vmem_shared>>) offsets(%dma_start3A_141 : memref<40xi32, #tpu.memory_space<vmem>>) semaphore(%arg19 : memref<!tpu.dma_semaphore, #tpu.memory_space<semaphore_mem>>) {add = true}
      } else {
      }
      %add3A_80 = arith.constant 1 : i32
      %add3A_81 = arith.addi %add3A_75, %add3A_80 : i32
      %lt3A_82 = arith.constant 250 : i32
      %lt3A_83 = arith.cmpi slt, %add3A_81, %lt3A_82 : i32
      %convert_element_type3A_84 = arith.extui %lt3A_83 : i1 to i32
      %cond3A_85 = arith.constant 0 : i32
      %cond3A_86 = arith.cmpi ne, %convert_element_type3A_84, %cond3A_85 : i32
      scf.if %cond3A_86 {
        %add3A_115 = arith.constant 1 : i32
        %add3A_116 = arith.addi %add3A_75, %add3A_115 : i32
        %mul3A_117 = arith.constant 40 : i32
        %mul3A_118 = arith.muli %add3A_116, %mul3A_117 : i32
        %dma_wait3A = tpu.memref_slice %arg7[%mul3A_118] : memref<10000xi32, #tpu.memory_space<vmem>> -> memref<40xi32, #tpu.memory_space<vmem>>
        %dma_wait3A_119 = arith.constant 0 : i32
        %dma_wait3A_120 = arith.constant 0 : i32
        %dma_wait3A_121 = tpu.memref_slice %arg2[%dma_wait3A_119, %dma_wait3A_120] : memref<20000x128xf32, #tpu.memory_space<hbm>> -> memref<20000x128xf32, #tpu.memory_space<hbm>>
        tpu.wait_indirect_dma semaphore(%arg14 : memref<!tpu.dma_semaphore, #tpu.memory_space<semaphore_mem>>) src(%dma_wait3A_121 : memref<20000x128xf32, #tpu.memory_space<hbm>>) dst(%arg10 : memref<40x128xf32, #tpu.memory_space<vmem>>)
        %add3A_122 = arith.constant 1 : i32
        %add3A_123 = arith.addi %add3A_75, %add3A_122 : i32
        %mul3A_124 = arith.constant 10000 : i32
        %mul3A_125 = arith.muli %arg1, %mul3A_124 : i32
        %mul3A_126 = arith.constant 40 : i32
        %mul3A_127 = arith.muli %add3A_123, %mul3A_126 : i32
        %add3A_128 = arith.addi %mul3A_125, %mul3A_127 : i32
        %dma_wait3A_129 = arith.constant 1 : i32
        %dma_wait3A_130 = arith.constant 0 : i32
        %dma_wait3A_131 = tpu.memref_slice %arg8[%dma_wait3A_129, %dma_wait3A_130] : memref<3x40xi32, #tpu.memory_space<vmem>> -> memref<1x40xi32, #tpu.memory_space<vmem>>
        %dma_wait3A_132 = tpu.memref_squeeze %dma_wait3A_131 : memref<1x40xi32, #tpu.memory_space<vmem>> -> memref<40xi32, #tpu.memory_space<vmem>>
        %dma_wait3A_133 = tpu.memref_slice %arg4[%add3A_128] : memref<160000xi32, #tpu.memory_space<hbm>> -> memref<40xi32, #tpu.memory_space<hbm>>
        %dma_wait3A_134 = arith.constant 0 : i32
        %dma_wait3A_135 = tpu.memref_slice %arg8[%dma_wait3A_129, %dma_wait3A_134] : memref<3x40xi32, #tpu.memory_space<vmem>> -> memref<1x40xi32, #tpu.memory_space<vmem>>
        %dma_wait3A_136 = tpu.memref_squeeze %dma_wait3A_135 : memref<1x40xi32, #tpu.memory_space<vmem>> -> memref<40xi32, #tpu.memory_space<vmem>>
        %dma_wait3A_137 = tpu.memref_slice %arg4[%add3A_128] : memref<160000xi32, #tpu.memory_space<hbm>> -> memref<40xi32, #tpu.memory_space<hbm>>
        tpu.wait_dma2 semaphore(%arg17 : memref<!tpu.dma_semaphore, #tpu.memory_space<semaphore_mem>>) src(%dma_wait3A_137 : memref<40xi32, #tpu.memory_space<hbm>>) dst(%dma_wait3A_136 : memref<40xi32, #tpu.memory_space<vmem>>)
        %dma_start3A_138 = arith.constant 1 : i32
        %dma_start3A_139 = arith.constant 0 : i32
        %dma_start3A_140 = tpu.memref_slice %arg8[%dma_start3A_138, %dma_start3A_139] : memref<3x40xi32, #tpu.memory_space<vmem>> -> memref<1x40xi32, #tpu.memory_space<vmem>>
        %dma_start3A_141 = tpu.memref_squeeze %dma_start3A_140 : memref<1x40xi32, #tpu.memory_space<vmem>> -> memref<40xi32, #tpu.memory_space<vmem>>
        %dma_start3A_142 = arith.constant 0 : i32
        %dma_start3A_143 = arith.constant 0 : i32
        %dma_start3A_144 = tpu.memref_slice %arg12[%dma_start3A_142, %dma_start3A_143] : memref<10240x128xf32, #tpu.memory_space<vmem_shared>> -> memref<10240x128xf32, #tpu.memory_space<vmem_shared>>
        tpu.enqueue_indirect_dma source(%arg10 : memref<40x128xf32, #tpu.memory_space<vmem>>) target(%dma_start3A_144 : memref<10240x128xf32, #tpu.memory_space<vmem_shared>>) offsets(%dma_start3A_141 : memref<40xi32, #tpu.memory_space<vmem>>) semaphore(%arg20 : memref<!tpu.dma_semaphore, #tpu.memory_space<semaphore_mem>>) {add = true}
      } else {
      }
      %add3A_87 = arith.constant 2 : i32
      %add3A_88 = arith.addi %add3A_75, %add3A_87 : i32
      %lt3A_89 = arith.constant 250 : i32
      %lt3A_90 = arith.cmpi slt, %add3A_88, %lt3A_89 : i32
      %convert_element_type3A_91 = arith.extui %lt3A_90 : i1 to i32
      %cond3A_92 = arith.constant 0 : i32
      %cond3A_93 = arith.cmpi ne, %convert_element_type3A_91, %cond3A_92 : i32
      scf.if %cond3A_93 {
        %add3A_115 = arith.constant 2 : i32
        %add3A_116 = arith.addi %add3A_75, %add3A_115 : i32
        %mul3A_117 = arith.constant 40 : i32
        %mul3A_118 = arith.muli %add3A_116, %mul3A_117 : i32
        %dma_wait3A = tpu.memref_slice %arg7[%mul3A_118] : memref<10000xi32, #tpu.memory_space<vmem>> -> memref<40xi32, #tpu.memory_space<vmem>>
        %dma_wait3A_119 = arith.constant 0 : i32
        %dma_wait3A_120 = arith.constant 0 : i32
        %dma_wait3A_121 = tpu.memref_slice %arg2[%dma_wait3A_119, %dma_wait3A_120] : memref<20000x128xf32, #tpu.memory_space<hbm>> -> memref<20000x128xf32, #tpu.memory_space<hbm>>
        tpu.wait_indirect_dma semaphore(%arg15 : memref<!tpu.dma_semaphore, #tpu.memory_space<semaphore_mem>>) src(%dma_wait3A_121 : memref<20000x128xf32, #tpu.memory_space<hbm>>) dst(%arg11 : memref<40x128xf32, #tpu.memory_space<vmem>>)
        %add3A_122 = arith.constant 2 : i32
        %add3A_123 = arith.addi %add3A_75, %add3A_122 : i32
        %mul3A_124 = arith.constant 10000 : i32
        %mul3A_125 = arith.muli %arg1, %mul3A_124 : i32
        %mul3A_126 = arith.constant 40 : i32
        %mul3A_127 = arith.muli %add3A_123, %mul3A_126 : i32
        %add3A_128 = arith.addi %mul3A_125, %mul3A_127 : i32
        %dma_wait3A_129 = arith.constant 2 : i32
        %dma_wait3A_130 = arith.constant 0 : i32
        %dma_wait3A_131 = tpu.memref_slice %arg8[%dma_wait3A_129, %dma_wait3A_130] : memref<3x40xi32, #tpu.memory_space<vmem>> -> memref<1x40xi32, #tpu.memory_space<vmem>>
        %dma_wait3A_132 = tpu.memref_squeeze %dma_wait3A_131 : memref<1x40xi32, #tpu.memory_space<vmem>> -> memref<40xi32, #tpu.memory_space<vmem>>
        %dma_wait3A_133 = tpu.memref_slice %arg4[%add3A_128] : memref<160000xi32, #tpu.memory_space<hbm>> -> memref<40xi32, #tpu.memory_space<hbm>>
        %dma_wait3A_134 = arith.constant 0 : i32
        %dma_wait3A_135 = tpu.memref_slice %arg8[%dma_wait3A_129, %dma_wait3A_134] : memref<3x40xi32, #tpu.memory_space<vmem>> -> memref<1x40xi32, #tpu.memory_space<vmem>>
        %dma_wait3A_136 = tpu.memref_squeeze %dma_wait3A_135 : memref<1x40xi32, #tpu.memory_space<vmem>> -> memref<40xi32, #tpu.memory_space<vmem>>
        %dma_wait3A_137 = tpu.memref_slice %arg4[%add3A_128] : memref<160000xi32, #tpu.memory_space<hbm>> -> memref<40xi32, #tpu.memory_space<hbm>>
        tpu.wait_dma2 semaphore(%arg18 : memref<!tpu.dma_semaphore, #tpu.memory_space<semaphore_mem>>) src(%dma_wait3A_137 : memref<40xi32, #tpu.memory_space<hbm>>) dst(%dma_wait3A_136 : memref<40xi32, #tpu.memory_space<vmem>>)
        %dma_start3A_138 = arith.constant 2 : i32
        %dma_start3A_139 = arith.constant 0 : i32
        %dma_start3A_140 = tpu.memref_slice %arg8[%dma_start3A_138, %dma_start3A_139] : memref<3x40xi32, #tpu.memory_space<vmem>> -> memref<1x40xi32, #tpu.memory_space<vmem>>
        %dma_start3A_141 = tpu.memref_squeeze %dma_start3A_140 : memref<1x40xi32, #tpu.memory_space<vmem>> -> memref<40xi32, #tpu.memory_space<vmem>>
        %dma_start3A_142 = arith.constant 0 : i32
        %dma_start3A_143 = arith.constant 0 : i32
        %dma_start3A_144 = tpu.memref_slice %arg12[%dma_start3A_142, %dma_start3A_143] : memref<10240x128xf32, #tpu.memory_space<vmem_shared>> -> memref<10240x128xf32, #tpu.memory_space<vmem_shared>>
        tpu.enqueue_indirect_dma source(%arg11 : memref<40x128xf32, #tpu.memory_space<vmem>>) target(%dma_start3A_144 : memref<10240x128xf32, #tpu.memory_space<vmem_shared>>) offsets(%dma_start3A_141 : memref<40xi32, #tpu.memory_space<vmem>>) semaphore(%arg21 : memref<!tpu.dma_semaphore, #tpu.memory_space<semaphore_mem>>) {add = true}
      } else {
      }
      %add3A_94 = arith.constant 0 : i32
      %add3A_95 = arith.addi %add3A_75, %add3A_94 : i32
      %lt3A_96 = arith.constant 250 : i32
      %lt3A_97 = arith.cmpi slt, %add3A_95, %lt3A_96 : i32
      %convert_element_type3A_98 = arith.extui %lt3A_97 : i1 to i32
      %cond3A_99 = arith.constant 0 : i32
      %cond3A_100 = arith.cmpi ne, %convert_element_type3A_98, %cond3A_99 : i32
      scf.if %cond3A_100 {
        %dma_wait3A = arith.constant 0 : i32
        %dma_wait3A_115 = arith.constant 0 : i32
        %dma_wait3A_116 = tpu.memref_slice %arg8[%dma_wait3A, %dma_wait3A_115] : memref<3x40xi32, #tpu.memory_space<vmem>> -> memref<1x40xi32, #tpu.memory_space<vmem>>
        %dma_wait3A_117 = tpu.memref_squeeze %dma_wait3A_116 : memref<1x40xi32, #tpu.memory_space<vmem>> -> memref<40xi32, #tpu.memory_space<vmem>>
        %dma_wait3A_118 = arith.constant 0 : i32
        %dma_wait3A_119 = arith.constant 0 : i32
        %dma_wait3A_120 = tpu.memref_slice %arg12[%dma_wait3A_118, %dma_wait3A_119] : memref<10240x128xf32, #tpu.memory_space<vmem_shared>> -> memref<10240x128xf32, #tpu.memory_space<vmem_shared>>
        tpu.wait_indirect_dma semaphore(%arg19 : memref<!tpu.dma_semaphore, #tpu.memory_space<semaphore_mem>>) src(%arg9 : memref<40x128xf32, #tpu.memory_space<vmem>>) dst(%dma_wait3A_120 : memref<10240x128xf32, #tpu.memory_space<vmem_shared>>)
        %add3A_121 = arith.constant 0 : i32
        %add3A_122 = arith.addi %add3A_75, %add3A_121 : i32
        %add3A_123 = arith.constant 3 : i32
        %add3A_124 = arith.addi %add3A_122, %add3A_123 : i32
        %lt3A_125 = arith.constant 250 : i32
        %lt3A_126 = arith.cmpi slt, %add3A_124, %lt3A_125 : i32
        %convert_element_type3A_127 = arith.extui %lt3A_126 : i1 to i32
        %cond3A_128 = arith.constant 0 : i32
        %cond3A_129 = arith.cmpi ne, %convert_element_type3A_127, %cond3A_128 : i32
        scf.if %cond3A_129 {
          %add3A_130 = arith.constant 0 : i32
          %add3A_131 = arith.addi %add3A_75, %add3A_130 : i32
          %add3A_132 = arith.constant 3 : i32
          %add3A_133 = arith.addi %add3A_131, %add3A_132 : i32
          %mul3A_134 = arith.constant 40 : i32
          %mul3A_135 = arith.muli %add3A_133, %mul3A_134 : i32
          %dma_start3A_136 = tpu.memref_slice %arg7[%mul3A_135] : memref<10000xi32, #tpu.memory_space<vmem>> -> memref<40xi32, #tpu.memory_space<vmem>>
          %dma_start3A_137 = arith.constant 0 : i32
          %dma_start3A_138 = arith.constant 0 : i32
          %dma_start3A_139 = tpu.memref_slice %arg2[%dma_start3A_137, %dma_start3A_138] : memref<20000x128xf32, #tpu.memory_space<hbm>> -> memref<20000x128xf32, #tpu.memory_space<hbm>>
          tpu.enqueue_indirect_dma source(%dma_start3A_139 : memref<20000x128xf32, #tpu.memory_space<hbm>>) target(%arg9 : memref<40x128xf32, #tpu.memory_space<vmem>>) offsets(%dma_start3A_136 : memref<40xi32, #tpu.memory_space<vmem>>) semaphore(%arg13 : memref<!tpu.dma_semaphore, #tpu.memory_space<semaphore_mem>>)
          %add3A_140 = arith.constant 0 : i32
          %add3A_141 = arith.addi %add3A_75, %add3A_140 : i32
          %add3A_142 = arith.constant 3 : i32
          %add3A_143 = arith.addi %add3A_141, %add3A_142 : i32
          %mul3A_144 = arith.constant 10000 : i32
          %mul3A_145 = arith.muli %arg1, %mul3A_144 : i32
          %mul3A_146 = arith.constant 40 : i32
          %mul3A_147 = arith.muli %add3A_143, %mul3A_146 : i32
          %add3A_148 = arith.addi %mul3A_145, %mul3A_147 : i32
          %dma_start3A_149 = arith.constant 0 : i32
          %dma_start3A_150 = arith.constant 0 : i32
          %dma_start3A_151 = tpu.memref_slice %arg8[%dma_start3A_149, %dma_start3A_150] : memref<3x40xi32, #tpu.memory_space<vmem>> -> memref<1x40xi32, #tpu.memory_space<vmem>>
          %dma_start3A_152 = tpu.memref_squeeze %dma_start3A_151 : memref<1x40xi32, #tpu.memory_space<vmem>> -> memref<40xi32, #tpu.memory_space<vmem>>
          %dma_start3A_153 = tpu.memref_slice %arg4[%add3A_148] : memref<160000xi32, #tpu.memory_space<hbm>> -> memref<40xi32, #tpu.memory_space<hbm>>
          %dma_start3A_154 = arith.constant 0 : i32
          %dma_start3A_155 = tpu.memref_slice %arg8[%dma_start3A_149, %dma_start3A_154] : memref<3x40xi32, #tpu.memory_space<vmem>> -> memref<1x40xi32, #tpu.memory_space<vmem>>
          %dma_start3A_156 = tpu.memref_squeeze %dma_start3A_155 : memref<1x40xi32, #tpu.memory_space<vmem>> -> memref<40xi32, #tpu.memory_space<vmem>>
          %dma_start3A_157 = tpu.memref_slice %arg4[%add3A_148] : memref<160000xi32, #tpu.memory_space<hbm>> -> memref<40xi32, #tpu.memory_space<hbm>>
          tpu.enqueue_dma source(%dma_start3A_157 : memref<40xi32, #tpu.memory_space<hbm>>) target(%dma_start3A_156 : memref<40xi32, #tpu.memory_space<vmem>>) target_semaphore(%arg16 : memref<!tpu.dma_semaphore, #tpu.memory_space<semaphore_mem>>)
        } else {
        }
      } else {
      }
      %add3A_101 = arith.constant 1 : i32
      %add3A_102 = arith.addi %add3A_75, %add3A_101 : i32
      %lt3A_103 = arith.constant 250 : i32
      %lt3A_104 = arith.cmpi slt, %add3A_102, %lt3A_103 : i32
      %convert_element_type3A_105 = arith.extui %lt3A_104 : i1 to i32
      %cond3A_106 = arith.constant 0 : i32
      %cond3A_107 = arith.cmpi ne, %convert_element_type3A_105, %cond3A_106 : i32
      scf.if %cond3A_107 {
        %dma_wait3A = arith.constant 1 : i32
        %dma_wait3A_115 = arith.constant 0 : i32
        %dma_wait3A_116 = tpu.memref_slice %arg8[%dma_wait3A, %dma_wait3A_115] : memref<3x40xi32, #tpu.memory_space<vmem>> -> memref<1x40xi32, #tpu.memory_space<vmem>>
        %dma_wait3A_117 = tpu.memref_squeeze %dma_wait3A_116 : memref<1x40xi32, #tpu.memory_space<vmem>> -> memref<40xi32, #tpu.memory_space<vmem>>
        %dma_wait3A_118 = arith.constant 0 : i32
        %dma_wait3A_119 = arith.constant 0 : i32
        %dma_wait3A_120 = tpu.memref_slice %arg12[%dma_wait3A_118, %dma_wait3A_119] : memref<10240x128xf32, #tpu.memory_space<vmem_shared>> -> memref<10240x128xf32, #tpu.memory_space<vmem_shared>>
        tpu.wait_indirect_dma semaphore(%arg20 : memref<!tpu.dma_semaphore, #tpu.memory_space<semaphore_mem>>) src(%arg10 : memref<40x128xf32, #tpu.memory_space<vmem>>) dst(%dma_wait3A_120 : memref<10240x128xf32, #tpu.memory_space<vmem_shared>>)
        %add3A_121 = arith.constant 1 : i32
        %add3A_122 = arith.addi %add3A_75, %add3A_121 : i32
        %add3A_123 = arith.constant 3 : i32
        %add3A_124 = arith.addi %add3A_122, %add3A_123 : i32
        %lt3A_125 = arith.constant 250 : i32
        %lt3A_126 = arith.cmpi slt, %add3A_124, %lt3A_125 : i32
        %convert_element_type3A_127 = arith.extui %lt3A_126 : i1 to i32
        %cond3A_128 = arith.constant 0 : i32
        %cond3A_129 = arith.cmpi ne, %convert_element_type3A_127, %cond3A_128 : i32
        scf.if %cond3A_129 {
          %add3A_130 = arith.constant 1 : i32
          %add3A_131 = arith.addi %add3A_75, %add3A_130 : i32
          %add3A_132 = arith.constant 3 : i32
          %add3A_133 = arith.addi %add3A_131, %add3A_132 : i32
          %mul3A_134 = arith.constant 40 : i32
          %mul3A_135 = arith.muli %add3A_133, %mul3A_134 : i32
          %dma_start3A_136 = tpu.memref_slice %arg7[%mul3A_135] : memref<10000xi32, #tpu.memory_space<vmem>> -> memref<40xi32, #tpu.memory_space<vmem>>
          %dma_start3A_137 = arith.constant 0 : i32
          %dma_start3A_138 = arith.constant 0 : i32
          %dma_start3A_139 = tpu.memref_slice %arg2[%dma_start3A_137, %dma_start3A_138] : memref<20000x128xf32, #tpu.memory_space<hbm>> -> memref<20000x128xf32, #tpu.memory_space<hbm>>
          tpu.enqueue_indirect_dma source(%dma_start3A_139 : memref<20000x128xf32, #tpu.memory_space<hbm>>) target(%arg10 : memref<40x128xf32, #tpu.memory_space<vmem>>) offsets(%dma_start3A_136 : memref<40xi32, #tpu.memory_space<vmem>>) semaphore(%arg14 : memref<!tpu.dma_semaphore, #tpu.memory_space<semaphore_mem>>)
          %add3A_140 = arith.constant 1 : i32
          %add3A_141 = arith.addi %add3A_75, %add3A_140 : i32
          %add3A_142 = arith.constant 3 : i32
          %add3A_143 = arith.addi %add3A_141, %add3A_142 : i32
          %mul3A_144 = arith.constant 10000 : i32
          %mul3A_145 = arith.muli %arg1, %mul3A_144 : i32
          %mul3A_146 = arith.constant 40 : i32
          %mul3A_147 = arith.muli %add3A_143, %mul3A_146 : i32
          %add3A_148 = arith.addi %mul3A_145, %mul3A_147 : i32
          %dma_start3A_149 = arith.constant 1 : i32
          %dma_start3A_150 = arith.constant 0 : i32
          %dma_start3A_151 = tpu.memref_slice %arg8[%dma_start3A_149, %dma_start3A_150] : memref<3x40xi32, #tpu.memory_space<vmem>> -> memref<1x40xi32, #tpu.memory_space<vmem>>
          %dma_start3A_152 = tpu.memref_squeeze %dma_start3A_151 : memref<1x40xi32, #tpu.memory_space<vmem>> -> memref<40xi32, #tpu.memory_space<vmem>>
          %dma_start3A_153 = tpu.memref_slice %arg4[%add3A_148] : memref<160000xi32, #tpu.memory_space<hbm>> -> memref<40xi32, #tpu.memory_space<hbm>>
          %dma_start3A_154 = arith.constant 0 : i32
          %dma_start3A_155 = tpu.memref_slice %arg8[%dma_start3A_149, %dma_start3A_154] : memref<3x40xi32, #tpu.memory_space<vmem>> -> memref<1x40xi32, #tpu.memory_space<vmem>>
          %dma_start3A_156 = tpu.memref_squeeze %dma_start3A_155 : memref<1x40xi32, #tpu.memory_space<vmem>> -> memref<40xi32, #tpu.memory_space<vmem>>
          %dma_start3A_157 = tpu.memref_slice %arg4[%add3A_148] : memref<160000xi32, #tpu.memory_space<hbm>> -> memref<40xi32, #tpu.memory_space<hbm>>
          tpu.enqueue_dma source(%dma_start3A_157 : memref<40xi32, #tpu.memory_space<hbm>>) target(%dma_start3A_156 : memref<40xi32, #tpu.memory_space<vmem>>) target_semaphore(%arg17 : memref<!tpu.dma_semaphore, #tpu.memory_space<semaphore_mem>>)
        } else {
        }
      } else {
      }
      %add3A_108 = arith.constant 2 : i32
      %add3A_109 = arith.addi %add3A_75, %add3A_108 : i32
      %lt3A_110 = arith.constant 250 : i32
      %lt3A_111 = arith.cmpi slt, %add3A_109, %lt3A_110 : i32
      %convert_element_type3A_112 = arith.extui %lt3A_111 : i1 to i32
      %cond3A_113 = arith.constant 0 : i32
      %cond3A_114 = arith.cmpi ne, %convert_element_type3A_112, %cond3A_113 : i32
      scf.if %cond3A_114 {
        %dma_wait3A = arith.constant 2 : i32
        %dma_wait3A_115 = arith.constant 0 : i32
        %dma_wait3A_116 = tpu.memref_slice %arg8[%dma_wait3A, %dma_wait3A_115] : memref<3x40xi32, #tpu.memory_space<vmem>> -> memref<1x40xi32, #tpu.memory_space<vmem>>
        %dma_wait3A_117 = tpu.memref_squeeze %dma_wait3A_116 : memref<1x40xi32, #tpu.memory_space<vmem>> -> memref<40xi32, #tpu.memory_space<vmem>>
        %dma_wait3A_118 = arith.constant 0 : i32
        %dma_wait3A_119 = arith.constant 0 : i32
        %dma_wait3A_120 = tpu.memref_slice %arg12[%dma_wait3A_118, %dma_wait3A_119] : memref<10240x128xf32, #tpu.memory_space<vmem_shared>> -> memref<10240x128xf32, #tpu.memory_space<vmem_shared>>
        tpu.wait_indirect_dma semaphore(%arg21 : memref<!tpu.dma_semaphore, #tpu.memory_space<semaphore_mem>>) src(%arg11 : memref<40x128xf32, #tpu.memory_space<vmem>>) dst(%dma_wait3A_120 : memref<10240x128xf32, #tpu.memory_space<vmem_shared>>)
        %add3A_121 = arith.constant 2 : i32
        %add3A_122 = arith.addi %add3A_75, %add3A_121 : i32
        %add3A_123 = arith.constant 3 : i32
        %add3A_124 = arith.addi %add3A_122, %add3A_123 : i32
        %lt3A_125 = arith.constant 250 : i32
        %lt3A_126 = arith.cmpi slt, %add3A_124, %lt3A_125 : i32
        %convert_element_type3A_127 = arith.extui %lt3A_126 : i1 to i32
        %cond3A_128 = arith.constant 0 : i32
        %cond3A_129 = arith.cmpi ne, %convert_element_type3A_127, %cond3A_128 : i32
        scf.if %cond3A_129 {
          %add3A_130 = arith.constant 2 : i32
          %add3A_131 = arith.addi %add3A_75, %add3A_130 : i32
          %add3A_132 = arith.constant 3 : i32
          %add3A_133 = arith.addi %add3A_131, %add3A_132 : i32
          %mul3A_134 = arith.constant 40 : i32
          %mul3A_135 = arith.muli %add3A_133, %mul3A_134 : i32
          %dma_start3A_136 = tpu.memref_slice %arg7[%mul3A_135] : memref<10000xi32, #tpu.memory_space<vmem>> -> memref<40xi32, #tpu.memory_space<vmem>>
          %dma_start3A_137 = arith.constant 0 : i32
          %dma_start3A_138 = arith.constant 0 : i32
          %dma_start3A_139 = tpu.memref_slice %arg2[%dma_start3A_137, %dma_start3A_138] : memref<20000x128xf32, #tpu.memory_space<hbm>> -> memref<20000x128xf32, #tpu.memory_space<hbm>>
          tpu.enqueue_indirect_dma source(%dma_start3A_139 : memref<20000x128xf32, #tpu.memory_space<hbm>>) target(%arg11 : memref<40x128xf32, #tpu.memory_space<vmem>>) offsets(%dma_start3A_136 : memref<40xi32, #tpu.memory_space<vmem>>) semaphore(%arg15 : memref<!tpu.dma_semaphore, #tpu.memory_space<semaphore_mem>>)
          %add3A_140 = arith.constant 2 : i32
          %add3A_141 = arith.addi %add3A_75, %add3A_140 : i32
          %add3A_142 = arith.constant 3 : i32
          %add3A_143 = arith.addi %add3A_141, %add3A_142 : i32
          %mul3A_144 = arith.constant 10000 : i32
          %mul3A_145 = arith.muli %arg1, %mul3A_144 : i32
          %mul3A_146 = arith.constant 40 : i32
          %mul3A_147 = arith.muli %add3A_143, %mul3A_146 : i32
          %add3A_148 = arith.addi %mul3A_145, %mul3A_147 : i32
          %dma_start3A_149 = arith.constant 2 : i32
          %dma_start3A_150 = arith.constant 0 : i32
          %dma_start3A_151 = tpu.memref_slice %arg8[%dma_start3A_149, %dma_start3A_150] : memref<3x40xi32, #tpu.memory_space<vmem>> -> memref<1x40xi32, #tpu.memory_space<vmem>>
          %dma_start3A_152 = tpu.memref_squeeze %dma_start3A_151 : memref<1x40xi32, #tpu.memory_space<vmem>> -> memref<40xi32, #tpu.memory_space<vmem>>
          %dma_start3A_153 = tpu.memref_slice %arg4[%add3A_148] : memref<160000xi32, #tpu.memory_space<hbm>> -> memref<40xi32, #tpu.memory_space<hbm>>
          %dma_start3A_154 = arith.constant 0 : i32
          %dma_start3A_155 = tpu.memref_slice %arg8[%dma_start3A_149, %dma_start3A_154] : memref<3x40xi32, #tpu.memory_space<vmem>> -> memref<1x40xi32, #tpu.memory_space<vmem>>
          %dma_start3A_156 = tpu.memref_squeeze %dma_start3A_155 : memref<1x40xi32, #tpu.memory_space<vmem>> -> memref<40xi32, #tpu.memory_space<vmem>>
          %dma_start3A_157 = tpu.memref_slice %arg4[%add3A_148] : memref<160000xi32, #tpu.memory_space<hbm>> -> memref<40xi32, #tpu.memory_space<hbm>>
          tpu.enqueue_dma source(%dma_start3A_157 : memref<40xi32, #tpu.memory_space<hbm>>) target(%dma_start3A_156 : memref<40xi32, #tpu.memory_space<vmem>>) target_semaphore(%arg18 : memref<!tpu.dma_semaphore, #tpu.memory_space<semaphore_mem>>)
        } else {
        }
      } else {
      }
    }
    %scan3A_65 = arith.constant 84 : i32
    %barrier3A_66 = arith.constant 0 : index
    tpu.barrier barrier_id(%barrier3A_66)
    %mul3A_67 = arith.constant 640 : i32
    %mul3A_68 = arith.muli %arg1, %mul3A_67 : i32
    %mul3A_69 = arith.constant 640 : i32
    %mul3A_70 = arith.muli %arg1, %mul3A_69 : i32
    "tpu.region"() ({
      %run_scoped3A = tpu.sem_alloc : memref<!tpu.dma_semaphore, #tpu.memory_space<semaphore_mem>>
      %dma_start3A_71 = arith.constant 0 : i32
      %dma_start3A_72 = tpu.memref_slice %arg6[%arg0, %mul3A_70, %dma_start3A_71] : memref<2x10240x128xf32, #tpu.memory_space<hbm>> -> memref<1x640x128xf32, #tpu.memory_space<hbm>>
      %dma_start3A_73 = tpu.memref_squeeze %dma_start3A_72 : memref<1x640x128xf32, #tpu.memory_space<hbm>> -> memref<640x128xf32, #tpu.memory_space<hbm>>
      %dma_start3A_74 = arith.constant 0 : i32
      %dma_start3A_75 = tpu.memref_slice %arg12[%mul3A_68, %dma_start3A_74] : memref<10240x128xf32, #tpu.memory_space<vmem_shared>> -> memref<640x128xf32, #tpu.memory_space<vmem_shared>>
      tpu.enqueue_dma source(%dma_start3A_75 : memref<640x128xf32, #tpu.memory_space<vmem_shared>>) target(%dma_start3A_73 : memref<640x128xf32, #tpu.memory_space<hbm>>) target_semaphore(%run_scoped3A : memref<!tpu.dma_semaphore, #tpu.memory_space<semaphore_mem>>)
      %dma_wait3A = arith.constant 0 : i32
      %dma_wait3A_76 = tpu.memref_slice %arg6[%arg0, %mul3A_70, %dma_wait3A] : memref<2x10240x128xf32, #tpu.memory_space<hbm>> -> memref<1x640x128xf32, #tpu.memory_space<hbm>>
      %dma_wait3A_77 = tpu.memref_squeeze %dma_wait3A_76 : memref<1x640x128xf32, #tpu.memory_space<hbm>> -> memref<640x128xf32, #tpu.memory_space<hbm>>
      %dma_wait3A_78 = arith.constant 0 : i32
      %dma_wait3A_79 = tpu.memref_slice %arg12[%mul3A_68, %dma_wait3A_78] : memref<10240x128xf32, #tpu.memory_space<vmem_shared>> -> memref<640x128xf32, #tpu.memory_space<vmem_shared>>
      tpu.wait_dma2 semaphore(%run_scoped3A : memref<!tpu.dma_semaphore, #tpu.memory_space<semaphore_mem>>) src(%dma_wait3A_79 : memref<640x128xf32, #tpu.memory_space<vmem_shared>>) dst(%dma_wait3A_77 : memref<640x128xf32, #tpu.memory_space<hbm>>)
      tpu.yield
    }) : () -> ()
    return
  }
}

#map = affine_map<(d0, d1) -> (0)>
#map1 = affine_map<(d0, d1) -> (0, 0)>
module attributes {stable_mosaic.version = 14 : i64} {
  func.func @body(%arg0: i32, %arg1: i32, %arg2: memref<160000xi32, #tpu.memory_space<hbm>>, %arg3: memref<32x10240xf32, #tpu.memory_space<hbm>>, %arg4: memref<5000xi32, #tpu.memory_space<vmem>>, %arg5: memref<10240xf32, #tpu.memory_space<vmem>>) attributes {dimension_semantics = [#tpu.dimension_semantics<core_parallel>, #tpu.dimension_semantics<subcore_parallel>], iteration_bounds = array<i64: 2, 16>, scalar_prefetch = 0 : i64, scratch_operands = 2 : i64, tpu.core_type = #tpu.core_type<sc_vector_subcore>, window_params = [{transform_indices = #map}, {transform_indices = #map1}]} {
    %mul3A = arith.constant 16 : i32
    %mul3A_0 = arith.muli %arg0, %mul3A : i32
    %add3A = arith.addi %mul3A_0, %arg1 : i32
    %broadcast_in_dim3A = arith.constant 0.000000e+00 : f32
    %broadcast_in_dim3A_1 = vector.broadcast %broadcast_in_dim3A : f32 to vector<16xf32>
    %scan3A = arith.constant 0 : i32
    %scan3A_2 = arith.constant 640 : i32
    %scan3A_3 = arith.addi %scan3A, %scan3A_2 : i32
    %scan3A_4 = arith.constant 1 : i32
    scf.for %scan3A_18 = %scan3A to %scan3A_3 step %scan3A_4  : i32 {
      %mul3A_19 = arith.constant 1 : i32
      %mul3A_20 = arith.muli %scan3A_18, %mul3A_19 : i32
      %add3A_21 = arith.constant 0 : i32
      %add3A_22 = arith.addi %add3A_21, %mul3A_20 : i32
      %mul3A_23 = arith.constant 16 : i32
      %mul3A_24 = arith.muli %add3A_22, %mul3A_23 : i32
      %swap3A = arith.index_cast %mul3A_24 : i32 to index
      %swap3A_25 = tpu.vector_load %arg5[%swap3A] {strides = array<i32>} : memref<10240xf32, #tpu.memory_space<vmem>>, vector<16xf32>,
      tpu.vector_store %arg5[%swap3A], %broadcast_in_dim3A_1 {strides = array<i32>} : memref<10240xf32, #tpu.memory_space<vmem>>, vector<16xf32>,
    }
    %scan3A_5 = arith.constant 640 : i32
    %mul3A_6 = arith.constant 5000 : i32
    %mul3A_7 = arith.muli %add3A, %mul3A_6 : i32
    "tpu.region"() ({
      %run_scoped3A = tpu.sem_alloc : memref<!tpu.dma_semaphore, #tpu.memory_space<semaphore_mem>>
      %dma_start3A = tpu.memref_slice %arg2[%mul3A_7] : memref<160000xi32, #tpu.memory_space<hbm>> -> memref<5000xi32, #tpu.memory_space<hbm>>
      %dma_start3A_18 = tpu.memref_slice %arg2[%mul3A_7] : memref<160000xi32, #tpu.memory_space<hbm>> -> memref<5000xi32, #tpu.memory_space<hbm>>
      tpu.enqueue_dma source(%dma_start3A_18 : memref<5000xi32, #tpu.memory_space<hbm>>) target(%arg4 : memref<5000xi32, #tpu.memory_space<vmem>>) target_semaphore(%run_scoped3A : memref<!tpu.dma_semaphore, #tpu.memory_space<semaphore_mem>>)
      %dma_wait3A = tpu.memref_slice %arg2[%mul3A_7] : memref<160000xi32, #tpu.memory_space<hbm>> -> memref<5000xi32, #tpu.memory_space<hbm>>
      %dma_wait3A_19 = tpu.memref_slice %arg2[%mul3A_7] : memref<160000xi32, #tpu.memory_space<hbm>> -> memref<5000xi32, #tpu.memory_space<hbm>>
      tpu.wait_dma2 semaphore(%run_scoped3A : memref<!tpu.dma_semaphore, #tpu.memory_space<semaphore_mem>>) src(%dma_wait3A_19 : memref<5000xi32, #tpu.memory_space<hbm>>) dst(%arg4 : memref<5000xi32, #tpu.memory_space<vmem>>)
      tpu.yield
    }) : () -> ()
    %broadcast_in_dim3A_8 = arith.constant 1.000000e+00 : f32
    %broadcast_in_dim3A_9 = vector.broadcast %broadcast_in_dim3A_8 : f32 to vector<16xf32>
    %scan3A_10 = arith.constant 0 : i32
    %scan3A_11 = arith.constant 312 : i32
    %scan3A_12 = arith.addi %scan3A_10, %scan3A_11 : i32
    %scan3A_13 = arith.constant 1 : i32
    scf.for %scan3A_18 = %scan3A_10 to %scan3A_12 step %scan3A_13  : i32 {
      %mul3A_19 = arith.constant 1 : i32
      %mul3A_20 = arith.muli %scan3A_18, %mul3A_19 : i32
      %add3A_21 = arith.constant 0 : i32
      %add3A_22 = arith.addi %add3A_21, %mul3A_20 : i32
      %mul3A_23 = arith.constant 16 : i32
      %mul3A_24 = arith.muli %add3A_22, %mul3A_23 : i32
      %get3A_25 = arith.index_cast %mul3A_24 : i32 to index
      %get3A_26 = tpu.vector_load %arg4[%get3A_25] {strides = array<i32>} : memref<5000xi32, #tpu.memory_space<vmem>>, vector<16xi32>,
      tpu.vector_store_idx %arg5[%get3A_26], %broadcast_in_dim3A_9 {add = true} : memref<10240xf32, #tpu.memory_space<vmem>>[vector<16xi32>], vector<16xf32>,
    }
    %scan3A_14 = arith.constant 312 : i32
    %iota3A = tpu.iota {dimensions = array<i32: 0>} : vector<16xi32>
    %get3A = arith.constant 4984 : index
    %get3A_15 = tpu.vector_load %arg4[%get3A] {strides = array<i32>} : memref<5000xi32, #tpu.memory_space<vmem>>, vector<16xi32>,
    %ge3A = arith.constant 8 : i32
    %ge3A_16 = vector.broadcast %ge3A : i32 to vector<16xi32>
    %ge3A_17 = arith.cmpi sge, %iota3A, %ge3A_16 : vector<16xi32>
    tpu.vector_store_idx %arg5[%get3A_15], %broadcast_in_dim3A_9 masked %ge3A_17 {add = true} : memref<10240xf32, #tpu.memory_space<vmem>>[vector<16xi32>], vector<16xf32>, vector<16xi1>
    "tpu.region"() ({
      %run_scoped3A = tpu.sem_alloc : memref<!tpu.dma_semaphore, #tpu.memory_space<semaphore_mem>>
      %dma_start3A = arith.constant 0 : i32
      %dma_start3A_18 = tpu.memref_slice %arg3[%add3A, %dma_start3A] : memref<32x10240xf32, #tpu.memory_space<hbm>> -> memref<1x10240xf32, #tpu.memory_space<hbm>>
      %dma_start3A_19 = tpu.memref_squeeze %dma_start3A_18 : memref<1x10240xf32, #tpu.memory_space<hbm>> -> memref<10240xf32, #tpu.memory_space<hbm>>
      %dma_start3A_20 = arith.constant 0 : i32
      %dma_start3A_21 = tpu.memref_slice %arg3[%add3A, %dma_start3A_20] : memref<32x10240xf32, #tpu.memory_space<hbm>> -> memref<1x10240xf32, #tpu.memory_space<hbm>>
      %dma_start3A_22 = tpu.memref_squeeze %dma_start3A_21 : memref<1x10240xf32, #tpu.memory_space<hbm>> -> memref<10240xf32, #tpu.memory_space<hbm>>
      tpu.enqueue_dma source(%arg5 : memref<10240xf32, #tpu.memory_space<vmem>>) target(%dma_start3A_22 : memref<10240xf32, #tpu.memory_space<hbm>>) target_semaphore(%run_scoped3A : memref<!tpu.dma_semaphore, #tpu.memory_space<semaphore_mem>>)
      %dma_wait3A = arith.constant 0 : i32
      %dma_wait3A_23 = tpu.memref_slice %arg3[%add3A, %dma_wait3A] : memref<32x10240xf32, #tpu.memory_space<hbm>> -> memref<1x10240xf32, #tpu.memory_space<hbm>>
      %dma_wait3A_24 = tpu.memref_squeeze %dma_wait3A_23 : memref<1x10240xf32, #tpu.memory_space<hbm>> -> memref<10240xf32, #tpu.memory_space<hbm>>
      %dma_wait3A_25 = arith.constant 0 : i32
      %dma_wait3A_26 = tpu.memref_slice %arg3[%add3A, %dma_wait3A_25] : memref<32x10240xf32, #tpu.memory_space<hbm>> -> memref<1x10240xf32, #tpu.memory_space<hbm>>
      %dma_wait3A_27 = tpu.memref_squeeze %dma_wait3A_26 : memref<1x10240xf32, #tpu.memory_space<hbm>> -> memref<10240xf32, #tpu.memory_space<hbm>>
      tpu.wait_dma2 semaphore(%run_scoped3A : memref<!tpu.dma_semaphore, #tpu.memory_space<semaphore_mem>>) src(%arg5 : memref<10240xf32, #tpu.memory_space<vmem>>) dst(%dma_wait3A_27 : memref<10240xf32, #tpu.memory_space<hbm>>)
      tpu.yield
    }) : () -> ()
    return
  }
}

module attributes {stable_mosaic.version = 14 : i64} {
  func.func @body(%arg0: i32, %arg1: memref<2x1024x128xf32, #tpu.memory_space<vmem>>, %arg2: memref<32x1024xf32, #tpu.memory_space<vmem>>, %arg3: memref<1024x256xf32, #tpu.memory_space<vmem>>, %arg4: memref<512x256xf32, #tpu.memory_space<vmem>>, %arg5: memref<1x256xf32, #tpu.memory_space<vmem>>, %arg6: memref<1024x256xf32, #tpu.memory_space<vmem>>) attributes {dimension_semantics = [#tpu.dimension_semantics<arbitrary>], iteration_bounds = array<i64: 10>, scalar_prefetch = 0 : i64, scratch_operands = 0 : i64, tpu.core_type = #tpu.core_type<tc>, window_params = [{transform_indices = @transform_0, window_bounds = array<i64: 2, 1024, 128>}, {transform_indices = @transform_1, window_bounds = array<i64: 32, 1024>}, {transform_indices = @transform_2, window_bounds = array<i64: 1024, 256>}, {pipeline_mode = #tpu.pipeline_mode<synchronous>, transform_indices = @transform_3, window_bounds = array<i64: 512, 256>}, {pipeline_mode = #tpu.pipeline_mode<synchronous>, transform_indices = @transform_4, window_bounds = array<i64: 1, 256>}, {transform_indices = @transform_5, window_bounds = array<i64: 1024, 256>}]} {
    %get3A = arith.constant 0 : index
    %get3A_0 = arith.constant 0 : index
    %get3A_1 = arith.constant 0 : index
    %get3A_2 = vector.load %arg1[%get3A, %get3A_0, %get3A_1] : memref<2x1024x128xf32, #tpu.memory_space<vmem>>, vector<1x1024x128xf32>
    %get3A_3 = vector.shape_cast %get3A_2 : vector<1x1024x128xf32> to vector<1024x128xf32>
    %get3A_4 = arith.constant 1 : index
    %get3A_5 = arith.constant 0 : index
    %get3A_6 = arith.constant 0 : index
    %get3A_7 = vector.load %arg1[%get3A_4, %get3A_5, %get3A_6] : memref<2x1024x128xf32, #tpu.memory_space<vmem>>, vector<1x1024x128xf32>
    %get3A_8 = vector.shape_cast %get3A_7 : vector<1x1024x128xf32> to vector<1024x128xf32>
    %get3A_9 = arith.constant 0 : index
    %get3A_10 = arith.constant 0 : index
    %get3A_11 = vector.load %arg3[%get3A_9, %get3A_10] : memref<1024x256xf32, #tpu.memory_space<vmem>>, vector<1024x256xf32>
    %get3A_12 = arith.constant 0 : index
    %get3A_13 = arith.constant 0 : index
    %get3A_14 = vector.load %arg2[%get3A_12, %get3A_13] : memref<32x1024xf32, #tpu.memory_space<vmem>>, vector<32x1024xf32>
    %reduce_sum3A = arith.constant dense<0.000000e+00> : vector<1024xf32>
    %reduce_sum3A_15 = vector.multi_reduction <add>, %get3A_14, %reduce_sum3A [0] : vector<32x1024xf32> to vector<1024xf32>
    %broadcast_in_dim3A = vector.shape_cast %reduce_sum3A_15 : vector<1024xf32> to vector<1024x1xf32>
    %add3A = arith.constant 1.000000e+00 : f32
    %add3A_16 = vector.broadcast %add3A : f32 to vector<1024x1xf32>
    %add3A_17 = arith.addf %broadcast_in_dim3A, %add3A_16 : vector<1024x1xf32>
    %div3A = arith.constant 1.000000e+00 : f32
    %div3A_18 = vector.broadcast %div3A : f32 to vector<1024x1xf32>
    %div3A_19 = arith.divf %div3A_18, %add3A_17 : vector<1024x1xf32>
    %slice3A = vector.extract_strided_slice %get3A_11 {offsets = [0, 0], sizes = [1024, 128], strides = [1, 1]} : vector<1024x256xf32> to vector<1024x128xf32>
    %mul3A = arith.constant 2.000000e+00 : f32
    %mul3A_20 = vector.broadcast %mul3A : f32 to vector<1024x128xf32>
    %mul3A_21 = arith.mulf %mul3A_20, %slice3A : vector<1024x128xf32>
    %add3A_22 = arith.addf %get3A_3, %mul3A_21 : vector<1024x128xf32>
    %mul3A_23 = vector.broadcast %div3A_19 : vector<1024x1xf32> to vector<1024x128xf32>
    %mul3A_24 = arith.mulf %add3A_22, %mul3A_23 : vector<1024x128xf32>
    %slice3A_25 = vector.extract_strided_slice %get3A_11 {offsets = [0, 128], sizes = [1024, 128], strides = [1, 1]} : vector<1024x256xf32> to vector<1024x128xf32>
    %mul3A_26 = arith.constant 2.000000e+00 : f32
    %mul3A_27 = vector.broadcast %mul3A_26 : f32 to vector<1024x128xf32>
    %mul3A_28 = arith.mulf %mul3A_27, %slice3A_25 : vector<1024x128xf32>
    %add3A_29 = arith.addf %get3A_8, %mul3A_28 : vector<1024x128xf32>
    %mul3A_30 = vector.broadcast %div3A_19 : vector<1024x1xf32> to vector<1024x128xf32>
    %mul3A_31 = arith.mulf %add3A_29, %mul3A_30 : vector<1024x128xf32>
    %get3A_32 = arith.constant 0 : index
    %get3A_33 = arith.constant 0 : index
    %get3A_34 = vector.load %arg4[%get3A_32, %get3A_33] : memref<512x256xf32, #tpu.memory_space<vmem>>, vector<128x256xf32>
    %dot_general3A = arith.constant dense<0.000000e+00> : vector<1024x256xf32>
    %dot_general3A_35 = tpu.matmul %mul3A_24, %get3A_34, %dot_general3A {dimension_numbers = #tpu.dot_dimension_numbers<[1], [0], [0], [1], [0, 0, 1, 1], [], []>, transpose_lhs_hint = false} : vector<1024x128xf32>, vector<128x256xf32>, vector<1024x256xf32> -> vector<1024x256xf32>
    %get3A_36 = arith.constant 128 : index
    %get3A_37 = arith.constant 0 : index
    %get3A_38 = vector.load %arg4[%get3A_36, %get3A_37] : memref<512x256xf32, #tpu.memory_space<vmem>>, vector<128x256xf32>
    %dot_general3A_39 = arith.constant dense<0.000000e+00> : vector<1024x256xf32>
    %dot_general3A_40 = tpu.matmul %mul3A_31, %get3A_38, %dot_general3A_39 {dimension_numbers = #tpu.dot_dimension_numbers<[1], [0], [0], [1], [0, 0, 1, 1], [], []>, transpose_lhs_hint = false} : vector<1024x128xf32>, vector<128x256xf32>, vector<1024x256xf32> -> vector<1024x256xf32>
    %add3A_41 = arith.addf %dot_general3A_35, %dot_general3A_40 : vector<1024x256xf32>
    %get3A_42 = arith.constant 256 : index
    %get3A_43 = arith.constant 0 : index
    %get3A_44 = vector.load %arg4[%get3A_42, %get3A_43] : memref<512x256xf32, #tpu.memory_space<vmem>>, vector<256x256xf32>
    %dot_general3A_45 = arith.constant dense<0.000000e+00> : vector<1024x256xf32>
    %dot_general3A_46 = tpu.matmul %get3A_11, %get3A_44, %dot_general3A_45 {dimension_numbers = #tpu.dot_dimension_numbers<[1], [0], [0], [1], [0, 0, 1, 1], [], []>, transpose_lhs_hint = false} : vector<1024x256xf32>, vector<256x256xf32>, vector<1024x256xf32> -> vector<1024x256xf32>
    %add3A_47 = arith.addf %add3A_41, %dot_general3A_46 : vector<1024x256xf32>
    %get3A_48 = arith.constant 0 : index
    %get3A_49 = arith.constant 0 : index
    %get3A_50 = vector.load %arg5[%get3A_48, %get3A_49] : memref<1x256xf32, #tpu.memory_space<vmem>>, vector<1x256xf32>
    %add3A_51 = vector.broadcast %get3A_50 : vector<1x256xf32> to vector<1024x256xf32>
    %add3A_52 = arith.addf %add3A_47, %add3A_51 : vector<1024x256xf32>
    %max3A = arith.constant 0.000000e+00 : f32
    %max3A_53 = vector.broadcast %max3A : f32 to vector<1024x256xf32>
    %max3A_54 = arith.maximumf %add3A_52, %max3A_53 : vector<1024x256xf32>
    %swap3A = arith.constant 0 : index
    %swap3A_55 = arith.constant 0 : index
    %swap3A_56 = vector.load %arg6[%swap3A, %swap3A_55] : memref<1024x256xf32, #tpu.memory_space<vmem>>, vector<1024x256xf32>
    tpu.vector_store %arg6[%swap3A, %swap3A_55], %max3A_54 {strides = array<i32>} : memref<1024x256xf32, #tpu.memory_space<vmem>>, vector<1024x256xf32>,
    return
  }
  func.func @transform_0(%arg0: i32) -> (i32, i32, i32) {
    %c0_i32 = arith.constant 0 : i32
    %c0_i32_0 = arith.constant 0 : i32
    %c0_i32_1 = arith.constant 0 : i32
    return %c0_i32, %arg0, %c0_i32_0 : i32, i32, i32
  }
  func.func @transform_1(%arg0: i32) -> (i32, i32) {
    %c0_i32 = arith.constant 0 : i32
    %c0_i32_0 = arith.constant 0 : i32
    return %c0_i32, %arg0 : i32, i32
  }
  func.func @transform_2(%arg0: i32) -> (i32, i32) {
    %c0_i32 = arith.constant 0 : i32
    %c0_i32_0 = arith.constant 0 : i32
    return %arg0, %c0_i32 : i32, i32
  }
  func.func @transform_3(%arg0: i32) -> (i32, i32) {
    %c0_i32 = arith.constant 0 : i32
    %c0_i32_0 = arith.constant 0 : i32
    %c0_i32_1 = arith.constant 0 : i32
    return %c0_i32, %c0_i32_0 : i32, i32
  }
  func.func @transform_4(%arg0: i32) -> (i32, i32) {
    %c0_i32 = arith.constant 0 : i32
    %c0_i32_0 = arith.constant 0 : i32
    %c0_i32_1 = arith.constant 0 : i32
    return %c0_i32, %c0_i32_0 : i32, i32
  }
  func.func @transform_5(%arg0: i32) -> (i32, i32) {
    %c0_i32 = arith.constant 0 : i32
    %c0_i32_0 = arith.constant 0 : i32
    return %arg0, %c0_i32 : i32, i32
  }
}

</mosaic_0001>

<sc_bundles>
// kernel: kernel.6.cloned.1.call-start
scs
__scs_entry_jumppad:
0x0: {  	(pc) =	sbr.rel $0x88, $3  }
0x1: {  	(tag) =	ssettag $0x0;
	lr =	simm.s32 $0x1  }
0x2: {  	[smem:$0x3F9D] =	sst lr;
	_ =	strace $0xD0000000  }
0x3: {  	_ = 	snop  }
0x4: {  	_ = 	snop  }
0x5: {  	_ = 	snop  }
0x6: {  	_ = 	snop  }
0x7: {  	_ = 	snop  }
__scs_overlays_trampoline_lowered:
0x8: {  	[smem:$0x3FAC] =	sst s0  }
0x9: {  	[smem:$0x3FAD] =	sst s1  }
0xa: {  	[smem:$0x3FAE] =	sst s2  }
0xb: {  	[smem:$0x3FAF] =	sst s3  }
0xc: {  	[smem:$0x3FB0] =	sst s4  }
0xd: {  	[smem:$0x3FB1] =	sst s5  }
0xe: {  	[smem:$0x3FB2] =	sst s6  }
0xf: {  	[smem:$0x3FB3] =	sst s7  }
0x10: {  	[smem:$0x3FB4] =	sst s8  }
0x11: {  	[smem:$0x3FB5] =	sst s9;
	s0 =	simm.s32 @!p0 $0x0  }
0x12: {  	s1 =	sld [smem:$0x3F9B];
	s0 =	simm.s32 @p0 $0x1  }
0x13: {  	[smem:$0x3FB6] =	sst s0;
	s0 =	simm.s32 @!p1 $0x0  }
0x14: {  	s2 =	sld [smem:$0x3F9A];
	s0 =	simm.s32 @p1 $0x1  }
0x15: {  	[smem:$0x3FB7] =	sst s0;
	s0 =	simm.s32 @!p2 $0x0  }
0x16: {  	s3 =	sld [smem:$0x3FDB];
	s0 =	simm.s32 @p2 $0x1  }
0x17: {  	s4 =	simm.s32 $0x1BF5;
	[smem:$0x3FB9] =	sst s0  }
0x18: {  	s0 =	sld [smem:$0x3F9C];
	_ =	swait.ge [sflag:s4], $0x0  }
0x19: {  	s7 =	sld [smem:$0x3F9D]  }
0x1a: {  	s8 =	sadd.s32 $0xFFFFE003, lr  }
0x1b: {  	s9 =	sadd.s32 $0xFFFFFEF7, lr;
	s5 =	simm.s32 $0xFFFFFFFF;
	p2 =	slt.u32 s8, $0xFFFFF086  }
0x1c: {  	p1 =	slt.u32 s9, $0xF7A;
	s5 =	simm.s32 @!p2 $0x0  }
0x1d: {  	s5 =	simm.s32 @p1 $0x1;
	p0 =	seq.s32 s7, s2  }
0x1e: {  	s7 =	smul.u32 @!p0 $0xF7A, s2;
	p2 =	seq.s32 @!p0 s5, $0x0  }
0x1f: {  	s9 =	smul.u32 $0xF7A, s1;
	s8 =	simm.s32 @!p0 $0x1BF5;
	p2 =	por !p2, p0  }
0x20: {  	[sflag:s8] =	ssyncset.s32 @!p0 $0xFFFFF086;
	s6 =	sadd.s32 @!p0 s3, s7;
	s7 =	simm.s32 @!p0 $0x108  }
0x21: {  	s3 =	sadd.s32 s3, s9;
	s6 =	sadd.s32 @!p0 $0x88, s6;
	s7 =	simm.s32 @p2 $0x1082  }
0x22: {  	[simem:s7], [sflag:s8] =	dma.local @!p0 [hbm:s6], $0xF7A  }
0x23: {  	s9 =	sor.u32 $0xD0000000, s2;
	s6 =	simm.s32 $0x108;
	_ =	swait.ge @!p0 [sflag:s8], $0x0  }
0x24: {  	s3 =	sadd.s32 $0x88, s3;
	s6 =	simm.s32 @!p1 $0x1082;
	[sflag:s4] =	ssyncset.s32 $0xFFFFF086  }
0x25: {  	[simem:s6], [sflag:s4] =	dma.local [hbm:s3], $0xF7A  }
0x26: {  	[smem:$0x3F9D] =	sst s1;
	(tag) =	ssettag s2;
	_ =	strace s9  }
0x27: {  	s1 =	sld [smem:$0x3FAD]  }
0x28: {  	s2 =	sld [smem:$0x3FAE]  }
0x29: {  	s4 =	sld [smem:$0x3FB0]  }
0x2a: {  	p0 =	seq.s32 s5, $0x0;
	s5 =	sld [smem:$0x3FB1]  }
0x2b: {  	s6 =	sld [smem:$0x3FB2]  }
0x2c: {  	s7 =	sld [smem:$0x3FB3]  }
0x2d: {  	s3 =	simm.s32 $0x108;
	s8 =	sld [smem:$0x3FB4]  }
0x2e: {  	s3 =	simm.s32 @!p0 $0x1082;
	s9 =	sld [smem:$0x3FB5]  }
0x2f: {  	lr =	sadd.s32 s0, s3;
	s0 =	sld [smem:$0x3FAC]  }
0x30: {  	s3 =	sld [smem:$0x3FAF]  }
0x31: {  	[smem:$0x3FB8] =	sst s10  }
0x32: {  	s10 =	sld [smem:$0x3FB6];
	_ =	sdelay $0x3  }
0x33: {  	p0 =	seq.s32 s10, $0x1;
	s10 =	sld [smem:$0x3FB8];
	_ =	sdelay $0x3  }
0x34: {  	[smem:$0x3FB8] =	sst s10  }
0x35: {  	s10 =	sld [smem:$0x3FB7];
	_ =	sdelay $0x3  }
0x36: {  	p1 =	seq.s32 s10, $0x1;
	s10 =	sld [smem:$0x3FB8];
	_ =	sdelay $0x3  }
0x37: {  	[smem:$0x3FB8] =	sst s10  }
0x38: {  	s10 =	sld [smem:$0x3FB9]  }
0x39: {  	_ = 	snop;
	(pc) =	sbr.ind lr, $3  }
0x3a: {  	_ = 	snop  }
0x3b: {  	_ = 	snop  }
0x3c: {  	p2 =	seq.s32 s10, $0x1;
	s10 =	sld [smem:$0x3FB8]  }
0x3d: {  	_ =	shalt  }
0x3e: {  	_ =	shalt  }
0x3f: {  	_ =	shalt  }
0x40: {  	_ =	shalt  }
0x41: {  	_ =	shalt  }
0x42: {  	_ =	shalt  }
0x43: {  	_ =	shalt  }
0x44: {  	_ =	shalt  }
0x45: {  	_ =	shalt  }
0x46: {  	_ =	shalt  }
0x47: {  	_ =	shalt  }
0x48: {  	_ =	shalt  }
0x49: {  	_ =	shalt  }
0x4a: {  	_ =	shalt  }
0x4b: {  	_ =	shalt  }
0x4c: {  	_ =	shalt  }
0x4d: {  	_ =	shalt  }
0x4e: {  	_ =	shalt  }
0x4f: {  	_ =	shalt  }
0x50: {  	_ =	shalt  }
0x51: {  	_ =	shalt  }
0x52: {  	_ =	shalt  }
0x53: {  	_ =	shalt  }
0x54: {  	_ =	shalt  }
0x55: {  	_ =	shalt  }
0x56: {  	_ =	shalt  }
0x57: {  	_ =	shalt  }
0x58: {  	_ =	shalt  }
0x59: {  	_ =	shalt  }
0x5a: {  	_ =	shalt  }
0x5b: {  	_ =	shalt  }
0x5c: {  	_ =	shalt  }
0x5d: {  	_ =	shalt  }
0x5e: {  	_ =	shalt  }
0x5f: {  	_ =	shalt  }
0x60: {  	_ =	shalt  }
0x61: {  	_ =	shalt  }
0x62: {  	_ =	shalt  }
0x63: {  	_ =	shalt  }
0x64: {  	_ =	shalt  }
0x65: {  	_ =	shalt  }
0x66: {  	_ =	shalt  }
0x67: {  	_ =	shalt  }
0x68: {  	_ =	shalt  }
0x69: {  	_ =	shalt  }
0x6a: {  	_ =	shalt  }
0x6b: {  	_ =	shalt  }
0x6c: {  	_ =	shalt  }
0x6d: {  	_ =	shalt  }
0x6e: {  	_ =	shalt  }
0x6f: {  	_ =	shalt  }
0x70: {  	_ =	shalt  }
0x71: {  	_ =	shalt  }
0x72: {  	_ =	shalt  }
0x73: {  	_ =	shalt  }
0x74: {  	_ =	shalt  }
0x75: {  	_ =	shalt  }
0x76: {  	_ =	shalt  }
0x77: {  	_ =	shalt  }
0x78: {  	_ =	shalt  }
0x79: {  	_ =	shalt  }
0x7a: {  	_ =	shalt  }
0x7b: {  	_ =	shalt  }
0x7c: {  	_ =	shalt  }
0x7d: {  	_ =	shalt  }
0x7e: {  	_ =	shalt  }
0x7f: {  	_ =	shalt  }
0x80: {  	_ =	shalt  }
0x81: {  	_ =	shalt  }
0x82: {  	_ =	shalt  }
0x83: {  	_ =	shalt  }
0x84: {  	_ =	shalt  }
0x85: {  	_ =	shalt  }
0x86: {  	_ =	shalt  }
0x87: {  	_ =	shalt  }
.Lfunc_end0:
.L_simem_size_0:
called_computation_lowered:
.L_overlay_start_0:
0x88: {  	s2 =	sld [smem:$0x3FD9]  }
0x89: {  	s3 =	sld [smem:$0x3FFE];
	_ =	sdelay $0x1  }
0x8a: {  	s1 =	srdreg.scid  }
0x8b: {  	s0 =	sand.u32 $0x1, s1  }
0x8c: {  	s17 =	sshll.u32 s0, $0xA;
	s2 =	sadd.s32 s3, s2  }
0x8d: {  	s2 =	sadd.s32 s2, s17  }
0x8e: {  	[smem:$0x3FC4] =	sst s2  }
0x8f: {  	_ = 	snop  }
0x90: {  	s2 =	sld [smem:$0x3FD0];
	(tm) =	ssettm $0x1  }
0x91: {  	s18 =	sld [smem:$0x3FFB];
	_ =	sdelay $0x3  }
0x92: {  	_ =	strace s18  }
0x93: {  	s3 =	sld [smem:$0x3FFC];
	_ =	sdelay $0x3  }
0x94: {  	_ =	strace s3  }
0x95: {  	s3 =	sld [smem:$0x3FFD];
	_ =	sdelay $0x3  }
0x96: {  	_ =	strace s3  }
0x97: {  	_ =	strace $0x8FFFFFFF  }
0x98: {  	s19 =	sld [smem:$0x3FDB];
	_ =	sdelay $0x1  }
0x99: {  	s4 =	simm.s32 $_scs_section_size  }
0x9a: {  	s5 =	simm.s32 $_size__tile_overlayer_lowered;
	s6 =	simm.s32 $_tile_overlayer_lowered  }
0x9b: {  	s22 =	simm.s32 $0x1BFF;
	s21 =	sshll.u32 s6, $0x1;
	s3 =	sadd.s32 s4, s19  }
0x9c: {  	s7 =	simm.s32 $0x0;
	s20 =	sshll.u32 s5, $0x1;
	s5 =	sadd.s32 s21, s3  }
0x9d: {  	[timem:s7], [sflag:s22] =	dma.local [hbm:s5], s20  }
0x9e: {  	_ =	swait.ge [sflag:s22], s20  }
0x9f: {  	s4 =	ssub.s32 $0x0, s20;
	[sflag:s22] =	ssyncset.done $0x0  }
0xa0: {  	[sflag:s22] =	ssyncadd.s32 s4;
	_ =	sdelay $0x1  }
0xa1: {  	s23 =	simm.s32 $0x1B8B  }
0xa2: {  	_ =	swait.ge [sflag:s23], $0x1  }
0xa3: {  	[sflag:s23] =	ssyncset.done $0x0  }
0xa4: {  	s25 =	simm.s32 $0x1B8E;
	s24 =	sld [smem:$0x3FFE];
	[sflag:s23] =	ssyncadd.s32 $0xFFFFFFFF  }
0xa5: {  	s26 =	simm.s32 $execute0_lowered;
	[smem:$0x3FD2] =	sst s25  }
0xa6: {  	s5 =	sshll.u32 s26, $0x1;
	_ =	strace $0x80000046;
	[dreg:$0x1] =	wrdreg $0xFFFFFFFF  }
0xa7: {  	s28 =	simm.s32 $_size_execute0_lowered;
	s3 =	sadd.s32 s3, s5;
	[dreg:$0x0] =	wrdreg $0x0  }
0xa8: {  	s5 =	sshll.u32 s28, $0x1;
	[dreg:$0x2] =	wrdreg s3  }
0xa9: {  	[dreg:$0x3] =	wrdreg s5  }
0xaa: {  	[dreg:$0x4] =	wrdreg $0xC0  }
0xab: {  	_ =	task [dreg:s7], $0x5FFFF  }
0xac: {  	[dreg:$0x1] =	wrdreg $0xFFFFFFFF  }
0xad: {  	[dreg:$0x0] =	wrdreg $0x60  }
0xae: {  	[dreg:$0x2] =	wrdreg s2  }
0xaf: {  	[dreg:$0x3] =	wrdreg s24  }
0xb0: {  	[dreg:$0x4] =	wrdreg $0x65800  }
0xb1: {  	[dreg:$0x5] =	wrdreg $0x9  }
0xb2: {  	_ =	task.clear_ibuf [dreg:s7], $0x6FFFF;
	_ =	strace $0x90000046  }
0xb3: {  	s29 =	simm.s32 $0x9;
	_ =	strace $0x80000048  }
0xb4: {  	_ =	swait.ge [sflag:s29], $0x1  }
0xb5: {  	[sflag:s29] =	ssyncadd.s32 $0xFFFFFFFF  }
0xb6: {  	_ =	strace $0x90000048  }
0xb7: {  	_ =	sfence  }
0xb8: {  	s30 =	sld [smem:$0x0];
	_ =	sdelay $0x2  }
0xb9: {  	s31 =	sshll.u32 s1, $0xD;
	s1 =	sshrl.u32 s1, $0x2  }
0xba: {  	s3 =	sand.u32 $0x4000, s31;
	s1 =	sadd.s32 s1, s30  }
0xbb: {  	s0 =	sor.u32 s3, s0;
	s1 =	sshll.u32 s1, $0x11  }
0xbc: {  	s0 =	sor.u32 s1, s0  }
0xbd: {  	s0 =	sadd.s32 $0x8F2B, s0  }
0xbe: {  	[sflag:s0] =	ssyncadd.remote.s32 $0x1  }
0xbf: {  	_ =	sfence.sel $0xFFFF  }
0xc0: {  	[dreg:$0x0] =	wrdreg $0xFFFFFFFF;
	(pc) =	sbr.abs _section_cstart, $3  }
0xc1: {  	[dreg:$0x1] =	wrdreg $0xFFFFFFFF  }
0xc2: {  	_ =	task.clear_ibuf [dreg:s7], $0x2FFFF;
	_ =	strace $0x9FFFFFFF  }
0xc3: {  	(tm) =	ssettm $0x7FFFFFFF  }
tec
execute0_lowered:
.L_overlay_start_1:
0x0: {  	(tag) =	ssettag $0x1  }
0x1: {  	s2 =	rddreg [dreg:$0x0]  }
0x2: {  	s0 =	rddreg [dreg:$0x1]  }
0x3: {  	s3 =	rddreg [dreg:$0x2];
	s15 =	stileid.u32;
	s4 =	simm.s32 $0x0  }
0x4: {  	s5 =	srdreg.scid;
	s16 =	simm.s32 $0x28;
	s17 =	simm.s32 $0x2980  }
0x5: {  	s28 =	simm.s32 $0x2;
	s29 =	simm.s32 $0x5;
	s1 =	smul.u32 $0x2710, s15  }
0x6: {  	s30 =	simm.s32 $0x3;
	s31 =	simm.s32 $0x6;
	s6 =	smul.u32 $0x14000, s15  }
0x7: {  	[smem:$0x7FF] =	sst s4;
	s5 =	sand.u32 $0x1, s5;
	s11 =	smul.u32 $0x50000, s15  }
0x8: {  	s13 =	sadd.s32 $0x6400, s0;
	s21 =	sshll.u32 s15, $0x6;
	s24 =	smul.u32 $0x4E2, s15  }
0x9: {  	s15 =	simm.s32 $0xA;
	_ =	strace $0x80000047;
	s8 =	smul.u32 $0x140000, s5  }
0xa: {  	s18 =	ssub.s32 $0x2, s5;
	s7 =	sshrl.u32 s1, $0x3;
	s10 =	sshrl.u32 s6, $0x3  }
0xb: {  	s12 =	sshrl.u32 s18, $0x1;
	s19 =	sshrl.u32 s11, $0x2;
	s1 =	sadd.s32 $0x28, s1  }
0xc: {  	s9 =	sadd.s32 s7, s0;
	s6 =	sadd.s32 s6, s8;
	s10 =	sadd.s32 s10, s0  }
0xd: {  	s12 =	ssub.s32 s18, s12;
	s14 =	sadd.s32 s19, s3;
	s23 =	sadd.s32 s13, s7  }
0xe: {  	s1 =	sshrl.u32 s1, $0x3;
	s18 =	simm.s32 $0x2780;
	s19 =	simm.s32 $0x3D80  }
0xf: {  	s6 =	sshrl.u32 s6, $0x3;
	s20 =	sadd.s32 $0xB400, s10;
	s22 =	sadd.s32 $0x1400, s9  }
0x10: {  	s1 =	sadd.s32 s13, s1;
	[dreg:$0x6] =	wrdreg s23;
	s25 =	sadd.s32 $0xA, s23  }
0x11: {  	s26 =	smax.u32 s12, $0x1;
	s13 =	sadd.s32 s24, s13;
	[dreg:$0x4] =	wrdreg s20  }
0x12: {  	s14 =	sshrl.u32 s14, $0x3;
	s23 =	simm.s32 $0x2880;
	[dreg:$0x5] =	wrdreg s22  }
.Ltmp0:
0x13: {  	s24 =	simm.s32 $0x1;
	[dreg:$0x7] =	wrdreg s1;
	(pc) =	sbr.rel .LBB2_1-.Ltmp0, $4  }
0x14: {  	s0 =	sadd.s32 s6, s0;
	s6 =	sor.u32 $0x1C0A, s21;
	[dreg:$0x8] =	wrdreg s25  }
0x15: {  	[dreg:$0xa] =	wrdreg s26;
	s20 =	simm.s32 $0x2800;
	s22 =	simm.s32 $0x5180  }
0x16: {  	s25 =	simm.s32 $0x4;
	s26 =	simm.s32 $0x7;
	s0 =	sadd.s32 $0x33400, s0  }
0x17: {  	v0 =	vmov s5;
	s1 =	simm.s32 $0x0;
	[dreg:$0x9] =	wrdreg s0;
	s0 =	simm.s32 $0x8  }
.LBB2_8:
0x18: {  	_ =	swait.ge [sflag:s26], $0x1400  }
0x19: {  	[sflag:s26] =	ssyncset.done $0x0  }
0x1a: {  	[sflag:s26] =	ssyncadd.s32 $0xFFFFEC00  }
.LBB2_6:
0x1b: {  	[bflag:$0x0] =	sbarrier.arrive $0xFFFF  }
0x1c: {  	s5 =	rddreg [dreg:$0x9]  }
0x1d: {  	[hbm:s5], [sflag:s6] =	dma.local [spmem:s14], $0x2800  }
0x1e: {  	_ =	swait.ge [sflag:s15], $0x2800  }
0x1f: {  	s1 =	sadd.s32 $0x1, s1;
	s21 =	rddreg [dreg:$0xa]  }
0x20: {  	p0 =	sne.s32 s1, s21  }
.Ltmp1:
0x21: {  	_ = 	snop;
	(pc) =	sbr.rel @!p0 .LBB2_7-.Ltmp1, $3  }
0x22: {  	_ =	sdelay $0x1  }
0x23: {  	[sflag:s15] =	ssyncset.done $0x0  }
0x24: {  	[sflag:s15] =	ssyncadd.s32 $0xFFFFD800  }
.LBB2_1:
0x25: {  	s5 =	rddreg [dreg:$0x4]  }
0x26: {  	[spmem:s14], [sflag:s6] =	dma.local [hbm:s5], $0x2800  }
0x27: {  	_ =	swait.ge [sflag:s15], $0x2800  }
0x28: {  	[sflag:s15] =	ssyncset.done $0x0  }
0x29: {  	s21 =	rddreg [dreg:$0x5];
	[sflag:s15] =	ssyncadd.s32 $0xFFFFD800  }
0x2a: {  	[tilespmem:s4], [sflag:$0xA] =	stream.linear.gather [hbm4b:s21+s4], $0x2710, $0x38;
	[tilespmem:$0x1A580] =	vst v63  }
0x2b: {  	_ =	swait.ge [sflag:s15], $0x2710  }
0x2c: {  	[sflag:s15] =	ssyncset.done $0x0  }
0x2d: {  	s7 =	simm.s32 $0x40;
	s5 =	simm.s32 $0x0;
	[sflag:s15] =	ssyncadd.s32 $0xFFFFD8F0  }
.LBB2_2:
0x2e: {  	p0 =	sne.s32 s7, $0x9C00;
	v1 =	vld [tilespmem:s5+$0x0];
	_ =	sdelay $0x2  }
.Ltmp2:
0x2f: {  	(pc) =	sbr.rel @p0 .LBB2_2-.Ltmp2, $4  }
0x30: {  	_ = 	snop  }
0x31: {  	v1 =	vshll.u32 v1, $0x1  }
0x32: {  	v1 =	vor.u32 v0, v1  }
0x33: {  	[tilespmem:s5+$0x0] =	vst v1;
	s5 =	sshra.s32 s7, $0x2;
	s7 =	sadd.s32 $0x40, s7  }
0x34: {  	v1 =	vld [tilespmem:s5+$0x0];
	_ =	sdelay $0x4  }
0x35: {  	v1 =	vshll.u32 v1, $0x1  }
0x36: {  	v1 =	vor.u32 v0, v1  }
0x37: {  	[tilespmem:s5+$0x0] =	vst v1  }
0x38: {  	s21 =	simm.s32 $0x0;
	[bflag:$0x0] =	sbarrier.arrive $0xFFFF  }
0x39: {  	[tilespmem:s17], [sflag:$0x1] =	stream.indirect.gather [hbm4b:s2+s16], $0x80, s21, s16, $0xb8;
	[tilespmem:$0x1A580] =	vst v63  }
0x3a: {  	s9 =	rddreg [dreg:$0x6]  }
0x3b: {  	[tilespmem:s18], [sflag:$0x4] =	stream.linear.gather [hbm4b:s9+s21], $0x28, $0x38;
	[tilespmem:$0x1A580] =	vst v63  }
0x3c: {  	_ = 	snop  }
0x3d: {  	[tilespmem:s19], [sflag:$0x2] =	stream.indirect.gather [hbm4b:s2+s16], $0x80, s16, s16, $0xb8;
	[tilespmem:$0x1A580] =	vst v63  }
0x3e: {  	s10 =	rddreg [dreg:$0x7]  }
0x3f: {  	[tilespmem:s20], [sflag:$0x5] =	stream.linear.gather [hbm4b:s10+s21], $0x28, $0x38;
	[tilespmem:$0x1A580] =	vst v63  }
0x40: {  	s11 =	simm.s32 $0x50  }
0x41: {  	[tilespmem:s22], [sflag:$0x3] =	stream.indirect.gather [hbm4b:s2+s16], $0x80, s11, s16, $0xb8;
	[tilespmem:$0x1A580] =	vst v63  }
0x42: {  	s7 =	simm.s32 $0x0;
	s5 =	simm.s32 $0xC8;
	s12 =	rddreg [dreg:$0x8]  }
0x43: {  	[tilespmem:s23], [sflag:$0x6] =	stream.linear.gather [hbm4b:s12+s21], $0x28, $0x38;
	[tilespmem:$0x1A580] =	vst v63  }
.LBB2_4:
0x44: {  	_ =	swait.ge [sflag:s24], $0x1400  }
0x45: {  	p0 =	seq.s32 s21, $0x4DD;
	[sflag:s24] =	ssyncset.done $0x0  }
.Ltmp3:
0x46: {  	[sflag:s24] =	ssyncadd.s32 $0xFFFFEC00;
	(pc) =	sbr.rel @p0 .LBB2_8-.Ltmp3, $4  }
0x47: {  	_ =	swait.ge [sflag:s25], $0x28  }
0x48: {  	[sflag:s25] =	ssyncset.done $0x0  }
0x49: {  	[sflag:s25] =	ssyncadd.s32 $0xFFFFFFD8  }
0x4a: {  	[spmem:s3] =	stream.indirect.scatter.add.f32 [tilespmem:s17], [sflag:$0x7], $0x80, s18, s16, $0xb8;
	[tilespmem:$0x1A580] =	vst v63  }
0x4b: {  	_ =	swait.ge [sflag:s28], $0x1400  }
0x4c: {  	[sflag:s28] =	ssyncset.done $0x0  }
0x4d: {  	[sflag:s28] =	ssyncadd.s32 $0xFFFFEC00  }
0x4e: {  	_ =	swait.ge [sflag:s29], $0x28  }
0x4f: {  	[sflag:s29] =	ssyncset.done $0x0  }
0x50: {  	[sflag:s29] =	ssyncadd.s32 $0xFFFFFFD8  }
0x51: {  	[spmem:s3] =	stream.indirect.scatter.add.f32 [tilespmem:s19], [sflag:$0x8], $0x80, s20, s16, $0xb8;
	[tilespmem:$0x1A580] =	vst v63  }
0x52: {  	_ =	swait.ge [sflag:s30], $0x1400  }
0x53: {  	[sflag:s30] =	ssyncset.done $0x0  }
0x54: {  	[sflag:s30] =	ssyncadd.s32 $0xFFFFEC00  }
0x55: {  	_ =	swait.ge [sflag:s31], $0x28  }
0x56: {  	[sflag:s31] =	ssyncset.done $0x0  }
0x57: {  	[sflag:s31] =	ssyncadd.s32 $0xFFFFFFD8  }
0x58: {  	[spmem:s3] =	stream.indirect.scatter.add.f32 [tilespmem:s22], [sflag:$0x9], $0x80, s23, s16, $0xb8;
	[tilespmem:$0x1A580] =	vst v63  }
0x59: {  	_ =	swait.ge [sflag:s26], $0x1400  }
0x5a: {  	[sflag:s26] =	ssyncset.done $0x0  }
0x5b: {  	s9 =	sadd.s32 $0xFFFFFFB0, s5;
	s12 =	sadd.s32 s21, s13;
	[sflag:s26] =	ssyncadd.s32 $0xFFFFEC00  }
0x5c: {  	[tilespmem:s17], [sflag:$0x1] =	stream.indirect.gather [hbm4b:s2+s16], $0x80, s9, s16, $0xb8;
	[tilespmem:$0x1A580] =	vst v63  }
0x5d: {  	s9 =	sadd.s32 $0xF, s12  }
0x5e: {  	[tilespmem:s18], [sflag:$0x4] =	stream.linear.gather [hbm4b:s9+s4], $0x28, $0x38;
	[tilespmem:$0x1A580] =	vst v63  }
0x5f: {  	p0 =	slt.u32 s7, $0x52;
	_ =	swait.ge [sflag:s0], $0x1400  }
0x60: {  	s10 =	simm.s32 @p0 $0x28;
	[sflag:s0] =	ssyncset.done $0x0  }
0x61: {  	s11 =	simm.s32 @p0 $0x3D80;
	s9 =	sadd.s32 @p0 $0xFFFFFFD8, s5;
	[sflag:s0] =	ssyncadd.s32 $0xFFFFEC00  }
0x62: {  	[tilespmem:s11], [sflag:$0x2] =	stream.indirect.gather @p0 [hbm4b:s2+s10], $0x80, s9, s10, $0xb8;
	[tilespmem:$0x1A580] =	vst v63  }
0x63: {  	s9 =	sadd.s32 @p0 s21, s13  }
0x64: {  	s8 =	simm.s32 @p0 $0x0;
	s12 =	simm.s32 @p0 $0x2800;
	s11 =	sadd.s32 @p0 $0x14, s9  }
0x65: {  	[tilespmem:s12], [sflag:$0x5] =	stream.linear.gather @p0 [hbm4b:s11+s8], $0x28, $0x38;
	[tilespmem:$0x1A580] =	vst v63  }
0x66: {  	s11 =	simm.s32 @p0 $0x9  }
0x67: {  	_ =	swait.ge @p0 [sflag:s11], $0x1400  }
0x68: {  	[sflag:s11] =	ssyncset.done @p0 $0x0  }
0x69: {  	[sflag:s11] =	ssyncadd.s32 @p0 $0xFFFFEC00;
	s11 =	simm.s32 @p0 $0x5180  }
0x6a: {  	[tilespmem:s11], [sflag:$0x3] =	stream.indirect.gather @p0 [hbm4b:s2+s10], $0x80, s5, s10, $0xb8;
	[tilespmem:$0x1A580] =	vst v63  }
0x6b: {  	s9 =	sadd.s32 @p0 $0x19, s9;
	s10 =	simm.s32 @p0 $0x2880  }
0x6c: {  	[tilespmem:s10], [sflag:$0x6] =	stream.linear.gather @p0 [hbm4b:s9+s8], $0x28, $0x38;
	[tilespmem:$0x1A580] =	vst v63  }
0x6d: {  	s8 =	simm.s32 @!p0 $0x9  }
0x6e: {  	_ =	swait.ge @!p0 [sflag:s8], $0x1400  }
0x6f: {  	s21 =	sadd.s32 $0xF, s21;
	[sflag:s8] =	ssyncset.done @!p0 $0x0  }
0x70: {  	[sflag:s8] =	ssyncadd.s32 @!p0 $0xFFFFEC00;
	p0 =	sne.s32 s21, $0x4EC  }
.Ltmp4:
0x71: {  	_ = 	snop;
	(pc) =	sbr.rel @p0 .LBB2_4-.Ltmp4, $4  }
.Ltmp5:
0x72: {  	_ = 	snop;
	(pc) =	sbr.rel @!p0 .LBB2_6-.Ltmp5, $4  }
0x73: {  	_ = 	snop  }
0x74: {  	_ = 	snop  }
0x75: {  	s7 =	sadd.s32 $0x1, s7;
	s5 =	sadd.s32 $0x78, s5  }
0x76: {  	_ = 	snop  }
.LBB2_7:
0x77: {  	_ =	sfence.sel $0x180000  }
0x78: {  	[bflag:$0x0] =	sbarrier.arrive $0xFFFF  }
0x79: {  	_ =	strace $0x90000047  }
0x7a: {  	s0 =	stileid.u32;
	[bflag:$0x2] =	sbarrier.arrive $0xFFFF  }
0x7b: {  	p0 =	sne.s32 s0, $0x0;
	s0 =	rddreg [dreg:$0x3]  }
0x7c: {  	s0 =	sadd.s32 @!p0 $0x100000, s0  }
0x7d: {  	[sflag:s0] =	ssyncadd.tile.s32 @!p0 $0x1;
	_ =	shalt  }
.Lfunc_end2:
_tile_overlayer_lowered:
.L_overlay_start_2:
0x7e: {  	(tag) =	ssettag $0x2  }
0x7f: {  	s0 =	rddreg [dreg:$0x0];
	s2 =	stileid.u32  }
0x80: {  	s1 =	rddreg [dreg:$0x1];
	p0 =	sne.s32 s2, $0x0  }
0x81: {  	s3 =	rddreg [dreg:$0x2];
	[bflag:$0x3] =	sbarrier.arrive $0xFFFF;
	s2 =	simm.s32 @!p0 $0x1C0A  }
0x82: {  	[timem:s3], [sflag:s2] =	dma.local @!p0 [hbm:s0], s1  }
0x83: {  	s0 =	simm.s32 @!p0 $0xA  }
0x84: {  	_ =	swait.ge @!p0 [sflag:s0], s1  }
0x85: {  	s1 =	ssub.s32 @!p0 $0x0, s1;
	[sflag:s0] =	ssyncset.done @!p0 $0x0  }
0x86: {  	[sflag:s0] =	ssyncadd.s32 @!p0 s1  }
0x87: {  	[bflag:$0x3] =	sbarrier.arrive $0xFFFF  }
0x88: {  	_ =	shalt  }

// kernel: kernel.9.cloned.1.call-start
scs
__scs_entry_jumppad:
0x0: {  	(pc) =	sbr.rel $0x88, $3  }
0x1: {  	(tag) =	ssettag $0x0;
	lr =	simm.s32 $0x1  }
0x2: {  	[smem:$0x3F9D] =	sst lr;
	_ =	strace $0xD0000000  }
0x3: {  	_ = 	snop  }
0x4: {  	_ = 	snop  }
0x5: {  	_ = 	snop  }
0x6: {  	_ = 	snop  }
0x7: {  	_ = 	snop  }
__scs_overlays_trampoline_lowered:
0x8: {  	[smem:$0x3FAC] =	sst s0  }
0x9: {  	[smem:$0x3FAD] =	sst s1  }
0xa: {  	[smem:$0x3FAE] =	sst s2  }
0xb: {  	[smem:$0x3FAF] =	sst s3  }
0xc: {  	[smem:$0x3FB0] =	sst s4  }
0xd: {  	[smem:$0x3FB1] =	sst s5  }
0xe: {  	[smem:$0x3FB2] =	sst s6  }
0xf: {  	[smem:$0x3FB3] =	sst s7  }
0x10: {  	[smem:$0x3FB4] =	sst s8  }
0x11: {  	[smem:$0x3FB5] =	sst s9;
	s0 =	simm.s32 @!p0 $0x0  }
0x12: {  	s1 =	sld [smem:$0x3F9B];
	s0 =	simm.s32 @p0 $0x1  }
0x13: {  	[smem:$0x3FB6] =	sst s0;
	s0 =	simm.s32 @!p1 $0x0  }
0x14: {  	s2 =	sld [smem:$0x3F9A];
	s0 =	simm.s32 @p1 $0x1  }
0x15: {  	[smem:$0x3FB7] =	sst s0;
	s0 =	simm.s32 @!p2 $0x0  }
0x16: {  	s3 =	sld [smem:$0x3FDB];
	s0 =	simm.s32 @p2 $0x1  }
0x17: {  	s4 =	simm.s32 $0x1BF5;
	[smem:$0x3FB9] =	sst s0  }
0x18: {  	s0 =	sld [smem:$0x3F9C];
	_ =	swait.ge [sflag:s4], $0x0  }
0x19: {  	s7 =	sld [smem:$0x3F9D]  }
0x1a: {  	s8 =	sadd.s32 $0xFFFFE003, lr  }
0x1b: {  	s9 =	sadd.s32 $0xFFFFFEF7, lr;
	s5 =	simm.s32 $0xFFFFFFFF;
	p2 =	slt.u32 s8, $0xFFFFF086  }
0x1c: {  	p1 =	slt.u32 s9, $0xF7A;
	s5 =	simm.s32 @!p2 $0x0  }
0x1d: {  	s5 =	simm.s32 @p1 $0x1;
	p0 =	seq.s32 s7, s2  }
0x1e: {  	s7 =	smul.u32 @!p0 $0xF7A, s2;
	p2 =	seq.s32 @!p0 s5, $0x0  }
0x1f: {  	s9 =	smul.u32 $0xF7A, s1;
	s8 =	simm.s32 @!p0 $0x1BF5;
	p2 =	por !p2, p0  }
0x20: {  	[sflag:s8] =	ssyncset.s32 @!p0 $0xFFFFF086;
	s6 =	sadd.s32 @!p0 s3, s7;
	s7 =	simm.s32 @!p0 $0x108  }
0x21: {  	s3 =	sadd.s32 s3, s9;
	s6 =	sadd.s32 @!p0 $0x88, s6;
	s7 =	simm.s32 @p2 $0x1082  }
0x22: {  	[simem:s7], [sflag:s8] =	dma.local @!p0 [hbm:s6], $0xF7A  }
0x23: {  	s9 =	sor.u32 $0xD0000000, s2;
	s6 =	simm.s32 $0x108;
	_ =	swait.ge @!p0 [sflag:s8], $0x0  }
0x24: {  	s3 =	sadd.s32 $0x88, s3;
	s6 =	simm.s32 @!p1 $0x1082;
	[sflag:s4] =	ssyncset.s32 $0xFFFFF086  }
0x25: {  	[simem:s6], [sflag:s4] =	dma.local [hbm:s3], $0xF7A  }
0x26: {  	[smem:$0x3F9D] =	sst s1;
	(tag) =	ssettag s2;
	_ =	strace s9  }
0x27: {  	s1 =	sld [smem:$0x3FAD]  }
0x28: {  	s2 =	sld [smem:$0x3FAE]  }
0x29: {  	s4 =	sld [smem:$0x3FB0]  }
0x2a: {  	p0 =	seq.s32 s5, $0x0;
	s5 =	sld [smem:$0x3FB1]  }
0x2b: {  	s6 =	sld [smem:$0x3FB2]  }
0x2c: {  	s7 =	sld [smem:$0x3FB3]  }
0x2d: {  	s3 =	simm.s32 $0x108;
	s8 =	sld [smem:$0x3FB4]  }
0x2e: {  	s3 =	simm.s32 @!p0 $0x1082;
	s9 =	sld [smem:$0x3FB5]  }
0x2f: {  	lr =	sadd.s32 s0, s3;
	s0 =	sld [smem:$0x3FAC]  }
0x30: {  	s3 =	sld [smem:$0x3FAF]  }
0x31: {  	[smem:$0x3FB8] =	sst s10  }
0x32: {  	s10 =	sld [smem:$0x3FB6];
	_ =	sdelay $0x3  }
0x33: {  	p0 =	seq.s32 s10, $0x1;
	s10 =	sld [smem:$0x3FB8];
	_ =	sdelay $0x3  }
0x34: {  	[smem:$0x3FB8] =	sst s10  }
0x35: {  	s10 =	sld [smem:$0x3FB7];
	_ =	sdelay $0x3  }
0x36: {  	p1 =	seq.s32 s10, $0x1;
	s10 =	sld [smem:$0x3FB8];
	_ =	sdelay $0x3  }
0x37: {  	[smem:$0x3FB8] =	sst s10  }
0x38: {  	s10 =	sld [smem:$0x3FB9]  }
0x39: {  	_ = 	snop;
	(pc) =	sbr.ind lr, $3  }
0x3a: {  	_ = 	snop  }
0x3b: {  	_ = 	snop  }
0x3c: {  	p2 =	seq.s32 s10, $0x1;
	s10 =	sld [smem:$0x3FB8]  }
0x3d: {  	_ =	shalt  }
0x3e: {  	_ =	shalt  }
0x3f: {  	_ =	shalt  }
0x40: {  	_ =	shalt  }
0x41: {  	_ =	shalt  }
0x42: {  	_ =	shalt  }
0x43: {  	_ =	shalt  }
0x44: {  	_ =	shalt  }
0x45: {  	_ =	shalt  }
0x46: {  	_ =	shalt  }
0x47: {  	_ =	shalt  }
0x48: {  	_ =	shalt  }
0x49: {  	_ =	shalt  }
0x4a: {  	_ =	shalt  }
0x4b: {  	_ =	shalt  }
0x4c: {  	_ =	shalt  }
0x4d: {  	_ =	shalt  }
0x4e: {  	_ =	shalt  }
0x4f: {  	_ =	shalt  }
0x50: {  	_ =	shalt  }
0x51: {  	_ =	shalt  }
0x52: {  	_ =	shalt  }
0x53: {  	_ =	shalt  }
0x54: {  	_ =	shalt  }
0x55: {  	_ =	shalt  }
0x56: {  	_ =	shalt  }
0x57: {  	_ =	shalt  }
0x58: {  	_ =	shalt  }
0x59: {  	_ =	shalt  }
0x5a: {  	_ =	shalt  }
0x5b: {  	_ =	shalt  }
0x5c: {  	_ =	shalt  }
0x5d: {  	_ =	shalt  }
0x5e: {  	_ =	shalt  }
0x5f: {  	_ =	shalt  }
0x60: {  	_ =	shalt  }
0x61: {  	_ =	shalt  }
0x62: {  	_ =	shalt  }
0x63: {  	_ =	shalt  }
0x64: {  	_ =	shalt  }
0x65: {  	_ =	shalt  }
0x66: {  	_ =	shalt  }
0x67: {  	_ =	shalt  }
0x68: {  	_ =	shalt  }
0x69: {  	_ =	shalt  }
0x6a: {  	_ =	shalt  }
0x6b: {  	_ =	shalt  }
0x6c: {  	_ =	shalt  }
0x6d: {  	_ =	shalt  }
0x6e: {  	_ =	shalt  }
0x6f: {  	_ =	shalt  }
0x70: {  	_ =	shalt  }
0x71: {  	_ =	shalt  }
0x72: {  	_ =	shalt  }
0x73: {  	_ =	shalt  }
0x74: {  	_ =	shalt  }
0x75: {  	_ =	shalt  }
0x76: {  	_ =	shalt  }
0x77: {  	_ =	shalt  }
0x78: {  	_ =	shalt  }
0x79: {  	_ =	shalt  }
0x7a: {  	_ =	shalt  }
0x7b: {  	_ =	shalt  }
0x7c: {  	_ =	shalt  }
0x7d: {  	_ =	shalt  }
0x7e: {  	_ =	shalt  }
0x7f: {  	_ =	shalt  }
0x80: {  	_ =	shalt  }
0x81: {  	_ =	shalt  }
0x82: {  	_ =	shalt  }
0x83: {  	_ =	shalt  }
0x84: {  	_ =	shalt  }
0x85: {  	_ =	shalt  }
0x86: {  	_ =	shalt  }
0x87: {  	_ =	shalt  }
.Lfunc_end0:
.L_simem_size_0:
called_computation.1_lowered:
.L_overlay_start_0:
0x88: {  	s2 =	sld [smem:$0x3FD9]  }
0x89: {  	s3 =	sld [smem:$0x3FFE];
	_ =	sdelay $0x1  }
0x8a: {  	s1 =	srdreg.scid  }
0x8b: {  	s0 =	sand.u32 $0x1, s1  }
0x8c: {  	s17 =	sshll.u32 s0, $0xA;
	s2 =	sadd.s32 s3, s2  }
0x8d: {  	s2 =	sadd.s32 s2, s17  }
0x8e: {  	[smem:$0x3FC4] =	sst s2  }
0x8f: {  	_ = 	snop  }
0x90: {  	(tm) =	ssettm $0x1  }
0x91: {  	s18 =	sld [smem:$0x3FFB];
	_ =	sdelay $0x3  }
0x92: {  	_ =	strace s18  }
0x93: {  	s2 =	sld [smem:$0x3FFC];
	_ =	sdelay $0x3  }
0x94: {  	_ =	strace s2  }
0x95: {  	s2 =	sld [smem:$0x3FFD];
	_ =	sdelay $0x3  }
0x96: {  	_ =	strace s2  }
0x97: {  	_ =	strace $0x8FFFFFFF  }
0x98: {  	s19 =	sld [smem:$0x3FDB];
	_ =	sdelay $0x1  }
0x99: {  	s20 =	simm.s32 $_scs_section_size  }
0x9a: {  	s4 =	simm.s32 $_size__tile_overlayer_lowered;
	s5 =	simm.s32 $_tile_overlayer_lowered  }
0x9b: {  	s6 =	simm.s32 $0x1BFF;
	s21 =	sshll.u32 s5, $0x1;
	s3 =	sadd.s32 s20, s19  }
0x9c: {  	s22 =	simm.s32 $0x0;
	s4 =	sshll.u32 s4, $0x1;
	s5 =	sadd.s32 s21, s3  }
0x9d: {  	[timem:s22], [sflag:s6] =	dma.local [hbm:s5], s4  }
0x9e: {  	_ =	swait.ge [sflag:s6], s4  }
0x9f: {  	s4 =	ssub.s32 $0x0, s4;
	[sflag:s6] =	ssyncset.done $0x0  }
0xa0: {  	[sflag:s6] =	ssyncadd.s32 s4;
	_ =	sdelay $0x1  }
0xa1: {  	s23 =	simm.s32 $0x1B8B  }
0xa2: {  	_ =	swait.ge [sflag:s23], $0x1  }
0xa3: {  	[sflag:s23] =	ssyncset.done $0x0  }
0xa4: {  	[sflag:s23] =	ssyncadd.s32 $0xFFFFFFFF  }
0xa5: {  	s4 =	sld [smem:$0x0]  }
0xa6: {  	s5 =	sand.u32 $0xFFFFFFFE, s1  }
0xa7: {  	p0 =	sne.s32 s1, s5  }
0xa8: {  	s5 =	sshll.u32 @p0 s5, $0xE  }
0xa9: {  	s5 =	sadd.s32 @p0 $0x11B8D, s5;
	s6 =	sshll.u32 @p0 s4, $0x11  }
0xaa: {  	s5 =	sor.u32 @p0 s6, s5  }
0xab: {  	[sflag:s5] =	ssyncadd.remote.s32 @p0 $0x1;
	_ =	sdelay $0x1  }
0xac: {  	s5 =	simm.s32 @p0 $0x1B8D  }
0xad: {  	_ =	swait.eq @p0 [sflag:s5], $0x1  }
0xae: {  	[sflag:s5] =	ssyncadd.s32 @p0 $0xFFFFFFFF  }
0xaf: {  	s6 =	sshll.u32 @!p0 s1, $0xE  }
0xb0: {  	s6 =	sor.u32 @!p0 $0x4000, s6;
	s5 =	simm.s32 @!p0 $0x1B8D  }
0xb1: {  	s4 =	sshll.u32 @!p0 s4, $0x11;
	s6 =	sadd.s32 @!p0 $0x11B8D, s6;
	_ =	swait.eq @!p0 [sflag:s5], $0x1  }
0xb2: {  	s4 =	sor.u32 @!p0 s4, s6;
	[sflag:s5] =	ssyncadd.s32 @!p0 $0xFFFFFFFF  }
0xb3: {  	s25 =	simm.s32 $0x1B8E;
	s24 =	sld [smem:$0x3FFE];
	[sflag:s4] =	ssyncadd.remote.s32 @!p0 $0x1  }
0xb4: {  	s26 =	simm.s32 $execute0_lowered;
	[smem:$0x3FD2] =	sst s25  }
0xb5: {  	s5 =	sshll.u32 s26, $0x1;
	_ =	strace $0x80000049;
	[dreg:$0x1] =	wrdreg $0xFFFFFFFF  }
0xb6: {  	s28 =	simm.s32 $_size_execute0_lowered;
	s3 =	sadd.s32 s3, s5;
	[dreg:$0x0] =	wrdreg $0x0  }
0xb7: {  	s5 =	sshll.u32 s28, $0x1;
	[dreg:$0x2] =	wrdreg s3  }
0xb8: {  	[dreg:$0x3] =	wrdreg s5  }
0xb9: {  	[dreg:$0x4] =	wrdreg $0xC0  }
0xba: {  	_ =	task [dreg:s22], $0x5FFFF  }
0xbb: {  	[dreg:$0x1] =	wrdreg $0xFFFFFFFF  }
0xbc: {  	[dreg:$0x0] =	wrdreg $0x60  }
0xbd: {  	[dreg:$0x2] =	wrdreg s24  }
0xbe: {  	[dreg:$0x3] =	wrdreg $0xA  }
0xbf: {  	_ =	task.clear_ibuf [dreg:s22], $0x4FFFF;
	_ =	strace $0x90000049  }
0xc0: {  	s29 =	simm.s32 $0xA;
	_ =	strace $0x8000004B  }
0xc1: {  	_ =	swait.ge [sflag:s29], $0x1  }
0xc2: {  	[sflag:s29] =	ssyncadd.s32 $0xFFFFFFFF  }
0xc3: {  	_ =	strace $0x9000004B  }
0xc4: {  	_ =	sfence  }
0xc5: {  	s30 =	sld [smem:$0x0];
	_ =	sdelay $0x2  }
0xc6: {  	s31 =	sshll.u32 s1, $0xD;
	s1 =	sshrl.u32 s1, $0x2  }
0xc7: {  	s4 =	sand.u32 $0x4000, s31;
	s1 =	sadd.s32 s1, s30  }
0xc8: {  	s0 =	sor.u32 s4, s0;
	s1 =	sshll.u32 s1, $0x11  }
0xc9: {  	s0 =	sor.u32 s1, s0  }
0xca: {  	s0 =	sadd.s32 $0x8F2B, s0  }
0xcb: {  	[sflag:s0] =	ssyncadd.remote.s32 $0x1  }
0xcc: {  	_ =	sfence.sel $0xFFFF  }
0xcd: {  	[dreg:$0x0] =	wrdreg $0xFFFFFFFF;
	(pc) =	sbr.abs _section_cstart, $3  }
0xce: {  	[dreg:$0x1] =	wrdreg $0xFFFFFFFF  }
0xcf: {  	_ =	task.clear_ibuf [dreg:s22], $0x2FFFF;
	_ =	strace $0x9FFFFFFF  }
0xd0: {  	(tm) =	ssettm $0x7FFFFFFF  }
0xd1: {  	_ =	shalt  }
tec
execute0_lowered:
.L_overlay_start_1:
0x0: {  	(tag) =	ssettag $0x1  }
0x1: {  	s0 =	srdreg.scid  }
0x2: {  	s3 =	sand.u32 $0x1, s0  }
0x3: {  	s4 =	rddreg [dreg:$0x0];
	s0 =	stileid.u32;
	s1 =	sshll.u32 s3, $0x4  }
0x4: {  	s2 =	simm.s32 $0x0;
	s8 =	simm.s32 $0x80;
	s5 =	sor.u32 s0, s1  }
0x5: {  	s9 =	simm.s32 $0x400;
	[smem:$0x7FF] =	sst s2;
	s6 =	sshrl.u32 s5, $0x3  }
0x6: {  	s7 =	sshll.u32 s0, $0x7;
	s3 =	ssub.s32 $0x2, s3;
	s6 =	smul.u32 $0x14000, s6  }
0x7: {  	s1 =	rddreg [dreg:$0x1];
	s7 =	sand.u32 $0x380, s7;
	s5 =	smul.u32 $0x271, s5  }
0x8: {  	_ =	strace $0x8000004A;
	s30 =	sshrl.u32 s3, $0x1;
	s6 =	sor.u32 s7, s6  }
0x9: {  	s31 =	ssub.s32 s3, s30;
	s5 =	sadd.s32 s5, s4;
	s6 =	sshrl.u32 s6, $0x3  }
0xa: {  	s3 =	sadd.s32 $0x6400, s5;
	s5 =	smax.u32 s31, $0x1;
	s4 =	sadd.s32 s6, s4  }
0xb: {  	v0 =	vimm.f32 $0.0e+00;
	v1 =	vimm.f32 $1.000000000e+00;
	vm0 =	vcmask $0x3F20;
	s7 =	simm.s32 $0x1400;
	s6 =	simm.s32 $0x1;
	s4 =	sadd.s32 $0x83400, s4  }
.LBB2_1:
0xc: {  	s10 =	simm.s32 $0x40;
	s11 =	simm.s32 $0x0  }
.LBB2_2:
0xd: {  	p0 =	sne.s32 s10, $0x9FC0;
	[tilespmem:s11+$0x1400] =	vst v0;
	s11 =	smov.u32 s10;
	s10 =	sadd.s32 $0x40, s10  }
.Ltmp0:
0xe: {  	(pc) =	sbr.rel @p0 .LBB2_2-.Ltmp0, $2  }
0xf: {  	_ =	sdelay $0x2  }
0x10: {  	s11 =	sshra.s32 s11, $0x2  }
0x11: {  	[tilespmem:s11+$0x1400] =	vst v0;
	s10 =	simm.s32 $0x0  }
0x12: {  	[tilespmem:s10], [sflag:$0x1] =	stream.linear.gather [hbm4b:s3+s10], $0x1388, $0x38;
	[tilespmem:$0x3C00] =	vst v63  }
0x13: {  	_ =	swait.ge [sflag:s6], $0x1388  }
0x14: {  	[sflag:s6] =	ssyncset.done $0x0  }
0x15: {  	s11 =	simm.s32 $0x0;
	s10 =	simm.s32 $0x40;
	[sflag:s6] =	ssyncadd.s32 $0xFFFFEC78  }
.LBB2_4:
0x16: {  	p0 =	sne.s32 s10, $0x4DC0;
	v2 =	vld [tilespmem:s11+$0x0];
	_ =	sdelay $0x3  }
.Ltmp1:
0x17: {  	(pc) =	sbr.rel @p0 .LBB2_4-.Ltmp1, $2  }
0x18: {  	_ =	sdelay $0x2  }
0x19: {  	s11 =	sshra.s32 s10, $0x2;
	s10 =	sadd.s32 $0x40, s10;
	[tilespmem:v2+s7+$0x0] =	vst.idx.add.f32.msk $0xffff, v1  }
0x1a: {  	v2 =	vld [tilespmem:s11+$0x0];
	_ =	sdelay $0x7  }
0x1b: {  	[tilespmem:v2+s7+$0x0] =	vst.idx.add.f32.msk $0xffff, v1  }
0x1c: {  	v2 =	vld [tilespmem:$0x1378];
	_ =	sdelay $0x5  }
0x1d: {  	s2 =	sadd.s32 $0x1, s2  }
0x1e: {  	p0 =	sne.s32 s2, s5  }
.Ltmp2:
0x1f: {  	[tilespmem:v2+s7+$0x0] =	vst.idx.add.f32.msk vm0, v1;
	(pc) =	sbr.rel @p0 .LBB2_1-.Ltmp2, $4  }
0x20: {  	[hbm4b:s4+s8] =	stream.strided.scatter [tilespmem:s7], [sflag:$0x1], $0x2800, s9, s8, $0x38;
	[tilespmem:$0x3C00] =	vst v63  }
0x21: {  	_ =	swait.ge [sflag:s6], $0x2800  }
0x22: {  	[sflag:s6] =	ssyncset.done $0x0  }
0x23: {  	[sflag:s6] =	ssyncadd.s32 $0xFFFFD800  }
0x24: {  	_ =	sfence.sel $0x180000  }
0x25: {  	[bflag:$0x0] =	sbarrier.arrive $0xFFFF  }
0x26: {  	p0 =	sne.s32 s0, $0x0;
	_ =	strace $0x9000004A  }
0x27: {  	s0 =	sadd.s32 @!p0 $0x100000, s1;
	[bflag:$0x2] =	sbarrier.arrive $0xFFFF  }
0x28: {  	[sflag:s0] =	ssyncadd.tile.s32 @!p0 $0x1;
	_ =	shalt  }
.Lfunc_end2:
_tile_overlayer_lowered:
.L_overlay_start_2:
0x29: {  	(tag) =	ssettag $0x2  }
0x2a: {  	s0 =	rddreg [dreg:$0x0];
	s2 =	stileid.u32  }
0x2b: {  	s1 =	rddreg [dreg:$0x1];
	p0 =	sne.s32 s2, $0x0  }
0x2c: {  	s3 =	rddreg [dreg:$0x2];
	[bflag:$0x3] =	sbarrier.arrive $0xFFFF;
	s2 =	simm.s32 @!p0 $0x1C01  }
0x2d: {  	[timem:s3], [sflag:s2] =	dma.local @!p0 [hbm:s0], s1  }
0x2e: {  	s0 =	simm.s32 @!p0 $0x1  }
0x2f: {  	_ =	swait.ge @!p0 [sflag:s0], s1  }
0x30: {  	s1 =	ssub.s32 @!p0 $0x0, s1;
	[sflag:s0] =	ssyncset.done @!p0 $0x0  }
0x31: {  	[sflag:s0] =	ssyncadd.s32 @!p0 s1  }
0x32: {  	[bflag:$0x3] =	sbarrier.arrive $0xFFFF  }
0x33: {  	_ =	shalt  }

</sc_bundles>
